<compile_context>
chip_gen: v7x
topology: tpu7x:2x2x1
jax: 0.10.2.dev20260603
libtpu: 0.0.44.dev20260713+nightly
codegen_flags: <defaults>
</compile_context>

<pallas_src>
import functools

import jax
import jax.numpy as jnp
from jax import lax
from jax.experimental import pallas as pl
from jax.experimental.pallas import tpu as pltpu
from jax.experimental.pallas import tpu_sc as plsc

VOCAB = 1000000
EMBED_DIM = 32
BATCH = 16384
FIELDS = 26

NC = 2
NS = 16
LANES = 16
NW = NC * NS

B = BATCH * FIELDS
B_PER_W = BATCH // NW
BCHUNK = 64
N_CHUNKS = B_PER_W // BCHUNK
CHUNK = BCHUNK * FIELDS
KK = BCHUNK // LANES


def _body(table_hbm, idx_hbm, out_hbm, idx_raw, idx_safe, rows, oblk, sem):
    wid = lax.axis_index("s") * NC + lax.axis_index("c")
    bbase = wid * B_PER_W

    iota = lax.iota(jnp.int32, 16)
    iota26 = iota * FIELDS

    @pl.loop(0, N_CHUNKS)
    def _chunk(k):
        b0 = bbase + k * BCHUNK
        off = b0 * FIELDS
        pltpu.sync_copy(idx_hbm.at[pl.ds(off, CHUNK)], idx_raw)

        def _grp(g, minv):
            f = g // KK
            kk = g - f * KK
            v = plsc.load_gather(idx_raw, [iota26 + (kk * LANES * FIELDS + f)])
            idx_safe[pl.ds(f * BCHUNK + kk * LANES, LANES)] = jnp.maximum(v, 1) - 1
            return jnp.minimum(minv, v)

        minv = lax.fori_loop(
            0, FIELDS * KK, _grp, jnp.full((LANES,), VOCAB, jnp.int32)
        )

        pltpu.async_copy(table_hbm.at[idx_safe], rows, sem).wait()

        chunk_min = minv[0]
        for lane in range(1, LANES):
            chunk_min = jnp.minimum(chunk_min, minv[lane])

        @pl.when(chunk_min == 0)
        def _fixup():
            zeros = jnp.zeros((LANES,), jnp.float32)

            def _fix2(g, c):
                f = g // KK
                kk = g - f * KK
                v = plsc.load_gather(
                    idx_raw, [iota26 + (kk * LANES * FIELDS + f)]
                )
                m = v == 0
                row_ids = f * BCHUNK + kk * LANES + iota
                for col in range(EMBED_DIM):
                    plsc.store_scatter(
                        rows,
                        [row_ids, jnp.full((LANES,), col, jnp.int32)],
                        zeros,
                        mask=m,
                    )
                return c

            lax.fori_loop(0, FIELDS * KK, _fix2, jnp.int32(0))

        @pl.loop(0, FIELDS)
        def _shuf(f):
            base = f * BCHUNK
            rowv = [iota + (f * EMBED_DIM + h * LANES) for h in range(2)]
            for bb0 in range(0, BCHUNK, 8):
                vs = []
                for bb in range(bb0, bb0 + 8):
                    for h in range(2):
                        vs.append(
                            (bb, h, rows[base + bb, pl.ds(h * LANES, LANES)])
                        )
                for bb, h, v in vs:
                    plsc.store_scatter(
                        oblk, [rowv[h], jnp.full((LANES,), bb, jnp.int32)], v
                    )

        pltpu.sync_copy(
            oblk.at[:, pl.ds(0, BCHUNK)], out_hbm.at[:, pl.ds(b0, BCHUNK)]
        )


@functools.cache
def _sc_embed():
    return pl.kernel(
        _body,
        out_type=jax.ShapeDtypeStruct((FIELDS * EMBED_DIM, BATCH), jnp.float32),
        mesh=plsc.VectorSubcoreMesh(
            core_axis_name="c", subcore_axis_name="s", num_cores=NC, num_subcores=NS
        ),
        scratch_types=[
            pltpu.VMEM((CHUNK,), jnp.int32),
            pltpu.VMEM((CHUNK,), jnp.int32),
            pltpu.VMEM((CHUNK, EMBED_DIM), jnp.float32),
            pltpu.VMEM((FIELDS * EMBED_DIM, BCHUNK + 1), jnp.float32),
            pltpu.SemaphoreType.DMA,
        ],
        compiler_params=pltpu.CompilerParams(
            needs_layout_passes=False, use_tc_tiling_on_sc=False
        ),
    )


def kernel(inputs, embedding_matrix):
    idx = inputs.reshape(-1).astype(jnp.int32)
    out_t = _sc_embed()(embedding_matrix, idx)
    return out_t.reshape(FIELDS, EMBED_DIM, BATCH).transpose(2, 0, 1)

# --- scband reference (transcript-rebuilt; emitter-appended) ---
"""Pipeline reference for scband-embed-35794257445312 (READ-ONLY COPY).

The authoritative reference and input builder live on the scoring server;
editing this copy changes nothing except your own understanding.
"""

import jax, jax.numpy as jnp
import numpy as np

VOCAB = 1000000
EMBED_DIM = 32
BATCH = 16384
FIELDS = 26

def setup_inputs(seed: int = 0) -> dict:
    key = jax.random.key(seed)
    k_idx, k_w = jax.random.split(key)
    inputs = jax.random.randint(k_idx, (BATCH, FIELDS), 0, VOCAB, dtype=jnp.int64 if jax.config.read('jax_enable_x64') else jnp.int32)
    embedding_matrix = jax.random.uniform(k_w, (VOCAB, EMBED_DIM), dtype=jnp.float32, minval=-0.05, maxval=0.05)
    return {"inputs": inputs, "embedding_matrix": embedding_matrix}

def reference(inputs, embedding_matrix):
    # Faithful to tf.gather(tf.concat([zeros(1, D), embedding_matrix], axis=0), inputs, axis=0)
    table = jnp.concatenate([jnp.zeros((1, EMBED_DIM), dtype=jnp.float32), embedding_matrix], axis=0)
    return jnp.take(table, inputs, axis=0)

if __name__ == "__main__":
    import jax
    _d = setup_inputs()
    print(jax.jit(kernel)(*tuple(_d.values())))

</pallas_src>

<mosaic_0001>
#map = affine_map<(d0, d1) -> (0, 0)>
#map1 = affine_map<(d0, d1) -> (0)>
module attributes {stable_mosaic.version = 14 : i64} {
  func.func @_body(%arg0: i32, %arg1: i32, %arg2: memref<1000000x32xf32, #tpu.memory_space<hbm>>, %arg3: memref<425984xi32, #tpu.memory_space<hbm>>, %arg4: memref<832x16384xf32, #tpu.memory_space<hbm>>, %arg5: memref<1664xi32, #tpu.memory_space<vmem>>, %arg6: memref<1664xi32, #tpu.memory_space<vmem>>, %arg7: memref<1664x32xf32, #tpu.memory_space<vmem>>, %arg8: memref<832x65xf32, #tpu.memory_space<vmem>>, %arg9: memref<!tpu.dma_semaphore, #tpu.memory_space<semaphore_mem>>) attributes {dimension_semantics = [#tpu.dimension_semantics<core_parallel>, #tpu.dimension_semantics<subcore_parallel>], iteration_bounds = array<i64: 2, 16>, scalar_prefetch = 0 : i64, scratch_operands = 5 : i64, tpu.core_type = #tpu.core_type<sc_vector_subcore>, window_params = [{transform_indices = #map}, {transform_indices = #map1}, {transform_indices = #map}]} {
    %mul3A = arith.constant 2 : i32
    %mul3A_0 = arith.muli %arg1, %mul3A : i32
    %add3A = arith.addi %mul3A_0, %arg0 : i32
    %mul3A_1 = arith.constant 512 : i32
    %mul3A_2 = arith.muli %add3A, %mul3A_1 : i32
    %iota3A = tpu.iota {dimensions = array<i32: 0>} : vector<16xi32>
    %mul3A_3 = arith.constant 26 : i32
    %mul3A_4 = vector.broadcast %mul3A_3 : i32 to vector<16xi32>
    %mul3A_5 = arith.muli %iota3A, %mul3A_4 : vector<16xi32>
    %scan3A = arith.constant 0 : i32
    %scan3A_6 = arith.constant 8 : i32
    %scan3A_7 = arith.addi %scan3A, %scan3A_6 : i32
    %scan3A_8 = arith.constant 1 : i32
    scf.for %scan3A_10 = %scan3A to %scan3A_7 step %scan3A_8  : i32 {
      %mul3A_11 = arith.constant 1 : i32
      %mul3A_12 = arith.muli %scan3A_10, %mul3A_11 : i32
      %add3A_13 = arith.constant 0 : i32
      %add3A_14 = arith.addi %add3A_13, %mul3A_12 : i32
      %mul3A_15 = arith.constant 64 : i32
      %mul3A_16 = arith.muli %add3A_14, %mul3A_15 : i32
      %add3A_17 = arith.addi %mul3A_2, %mul3A_16 : i32
      %mul3A_18 = arith.constant 26 : i32
      %mul3A_19 = arith.muli %add3A_17, %mul3A_18 : i32
      "tpu.region"() ({
        %run_scoped3A = tpu.sem_alloc : memref<!tpu.dma_semaphore, #tpu.memory_space<semaphore_mem>>
        %dma_start3A_82 = tpu.memref_slice %arg3[%mul3A_19] : memref<425984xi32, #tpu.memory_space<hbm>> -> memref<1664xi32, #tpu.memory_space<hbm>>
        %dma_start3A_83 = tpu.memref_slice %arg3[%mul3A_19] : memref<425984xi32, #tpu.memory_space<hbm>> -> memref<1664xi32, #tpu.memory_space<hbm>>
        tpu.enqueue_dma source(%dma_start3A_83 : memref<1664xi32, #tpu.memory_space<hbm>>) target(%arg5 : memref<1664xi32, #tpu.memory_space<vmem>>) target_semaphore(%run_scoped3A : memref<!tpu.dma_semaphore, #tpu.memory_space<semaphore_mem>>)
        %dma_wait3A_84 = tpu.memref_slice %arg3[%mul3A_19] : memref<425984xi32, #tpu.memory_space<hbm>> -> memref<1664xi32, #tpu.memory_space<hbm>>
        %dma_wait3A_85 = tpu.memref_slice %arg3[%mul3A_19] : memref<425984xi32, #tpu.memory_space<hbm>> -> memref<1664xi32, #tpu.memory_space<hbm>>
        tpu.wait_dma2 semaphore(%run_scoped3A : memref<!tpu.dma_semaphore, #tpu.memory_space<semaphore_mem>>) src(%dma_wait3A_85 : memref<1664xi32, #tpu.memory_space<hbm>>) dst(%arg5 : memref<1664xi32, #tpu.memory_space<vmem>>)
        tpu.yield
      }) : () -> ()
      %broadcast_in_dim3A = arith.constant 1000000 : i32
      %broadcast_in_dim3A_20 = vector.broadcast %broadcast_in_dim3A : i32 to vector<16xi32>
      %scan3A_21 = arith.constant 0 : i32
      %scan3A_22 = arith.constant 104 : i32
      %scan3A_23 = arith.addi %scan3A_21, %scan3A_22 : i32
      %scan3A_24 = arith.constant 1 : i32
      %scan3A_25 = scf.for %scan3A_82 = %scan3A_21 to %scan3A_23 step %scan3A_24 iter_args(%scan3A_83 = %broadcast_in_dim3A_20) -> (vector<16xi32>)  : i32 {
        %jit3A = arith.constant 4 : i32
        %div3A = arith.divsi %scan3A_82, %jit3A : i32
        %sign3A = arith.constant 0 : i32
        %sign3A_84 = arith.cmpi sgt, %scan3A_82, %sign3A : i32
        %sign3A_85 = arith.extui %sign3A_84 : i1 to i32
        %sign3A_86 = arith.constant 0 : i32
        %sign3A_87 = arith.cmpi slt, %scan3A_82, %sign3A_86 : i32
        %sign3A_88 = arith.extui %sign3A_87 : i1 to i32
        %sign3A_89 = arith.subi %sign3A_85, %sign3A_88 : i32
        %sign3A_90 = arith.constant 0 : i32
        %sign3A_91 = arith.cmpi sgt, %jit3A, %sign3A_90 : i32
        %sign3A_92 = arith.extui %sign3A_91 : i1 to i32
        %sign3A_93 = arith.constant 0 : i32
        %sign3A_94 = arith.cmpi slt, %jit3A, %sign3A_93 : i32
        %sign3A_95 = arith.extui %sign3A_94 : i1 to i32
        %sign3A_96 = arith.subi %sign3A_92, %sign3A_95 : i32
        %ne3A = arith.cmpi ne, %sign3A_89, %sign3A_96 : i32
        %rem3A = arith.remsi %scan3A_82, %jit3A : i32
        %ne3A_97 = arith.constant 0 : i32
        %ne3A_98 = arith.cmpi ne, %rem3A, %ne3A_97 : i32
        %and3A = arith.andi %ne3A, %ne3A_98 : i1
        %sub3A = arith.constant 1 : i32
        %sub3A_99 = arith.subi %div3A, %sub3A : i32
        %select_n3A = arith.select %and3A, %sub3A_99, %div3A : i32
        %mul3A_100 = arith.constant 4 : i32
        %mul3A_101 = arith.muli %select_n3A, %mul3A_100 : i32
        %sub3A_102 = arith.subi %scan3A_82, %mul3A_101 : i32
        %mul3A_103 = arith.constant 16 : i32
        %mul3A_104 = arith.muli %sub3A_102, %mul3A_103 : i32
        %mul3A_105 = arith.constant 26 : i32
        %mul3A_106 = arith.muli %mul3A_104, %mul3A_105 : i32
        %add3A_107 = arith.addi %mul3A_106, %select_n3A : i32
        %add3A_108 = vector.broadcast %add3A_107 : i32 to vector<16xi32>
        %add3A_109 = arith.addi %mul3A_5, %add3A_108 : vector<16xi32>
        %gather3A = tpu.vector_load_idx %arg5[%add3A_109] : memref<1664xi32, #tpu.memory_space<vmem>>[vector<16xi32>], vector<16xi32>,
        %max3A = arith.constant 1 : i32
        %max3A_110 = vector.broadcast %max3A : i32 to vector<16xi32>
        %max3A_111 = arith.maxsi %gather3A, %max3A_110 : vector<16xi32>
        %sub3A_112 = arith.constant 1 : i32
        %sub3A_113 = vector.broadcast %sub3A_112 : i32 to vector<16xi32>
        %sub3A_114 = arith.subi %max3A_111, %sub3A_113 : vector<16xi32>
        %mul3A_115 = arith.constant 64 : i32
        %mul3A_116 = arith.muli %select_n3A, %mul3A_115 : i32
        %mul3A_117 = arith.constant 16 : i32
        %mul3A_118 = arith.muli %sub3A_102, %mul3A_117 : i32
        %add3A_119 = arith.addi %mul3A_116, %mul3A_118 : i32
        %swap3A = arith.index_cast %add3A_119 : i32 to index
        %swap3A_120 = tpu.vector_load %arg6[%swap3A] {strides = array<i32>} : memref<1664xi32, #tpu.memory_space<vmem>>, vector<16xi32>,
        tpu.vector_store %arg6[%swap3A], %sub3A_114 {strides = array<i32>} : memref<1664xi32, #tpu.memory_space<vmem>>, vector<16xi32>,
        %min3A_121 = arith.minsi %scan3A_83, %gather3A : vector<16xi32>
        scf.yield %min3A_121 : vector<16xi32>
      }
      %scan3A_26 = arith.constant 104 : i32
      %dma_start3A = arith.constant 0 : i32
      %dma_start3A_27 = arith.constant 0 : i32
      %dma_start3A_28 = tpu.memref_slice %arg2[%dma_start3A, %dma_start3A_27] : memref<1000000x32xf32, #tpu.memory_space<hbm>> -> memref<1000000x32xf32, #tpu.memory_space<hbm>>
      tpu.enqueue_indirect_dma source(%dma_start3A_28 : memref<1000000x32xf32, #tpu.memory_space<hbm>>) target(%arg7 : memref<1664x32xf32, #tpu.memory_space<vmem>>) offsets(%arg6 : memref<1664xi32, #tpu.memory_space<vmem>>) semaphore(%arg9 : memref<!tpu.dma_semaphore, #tpu.memory_space<semaphore_mem>>)
      %dma_wait3A = arith.constant 0 : i32
      %dma_wait3A_29 = arith.constant 0 : i32
      %dma_wait3A_30 = tpu.memref_slice %arg2[%dma_wait3A, %dma_wait3A_29] : memref<1000000x32xf32, #tpu.memory_space<hbm>> -> memref<1000000x32xf32, #tpu.memory_space<hbm>>
      tpu.wait_indirect_dma semaphore(%arg9 : memref<!tpu.dma_semaphore, #tpu.memory_space<semaphore_mem>>) src(%dma_wait3A_30 : memref<1000000x32xf32, #tpu.memory_space<hbm>>) dst(%arg7 : memref<1664x32xf32, #tpu.memory_space<vmem>>)
      %slice3A = vector.extract_strided_slice %scan3A_25 {offsets = [0], sizes = [1], strides = [1]} : vector<16xi32> to vector<1xi32>
      %squeeze3A = vector.extract %slice3A[0] : i32 from vector<1xi32>
      %slice3A_31 = vector.extract_strided_slice %scan3A_25 {offsets = [1], sizes = [1], strides = [1]} : vector<16xi32> to vector<1xi32>
      %squeeze3A_32 = vector.extract %slice3A_31[0] : i32 from vector<1xi32>
      %min3A = arith.minsi %squeeze3A, %squeeze3A_32 : i32
      %slice3A_33 = vector.extract_strided_slice %scan3A_25 {offsets = [2], sizes = [1], strides = [1]} : vector<16xi32> to vector<1xi32>
      %squeeze3A_34 = vector.extract %slice3A_33[0] : i32 from vector<1xi32>
      %min3A_35 = arith.minsi %min3A, %squeeze3A_34 : i32
      %slice3A_36 = vector.extract_strided_slice %scan3A_25 {offsets = [3], sizes = [1], strides = [1]} : vector<16xi32> to vector<1xi32>
      %squeeze3A_37 = vector.extract %slice3A_36[0] : i32 from vector<1xi32>
      %min3A_38 = arith.minsi %min3A_35, %squeeze3A_37 : i32
      %slice3A_39 = vector.extract_strided_slice %scan3A_25 {offsets = [4], sizes = [1], strides = [1]} : vector<16xi32> to vector<1xi32>
      %squeeze3A_40 = vector.extract %slice3A_39[0] : i32 from vector<1xi32>
      %min3A_41 = arith.minsi %min3A_38, %squeeze3A_40 : i32
      %slice3A_42 = vector.extract_strided_slice %scan3A_25 {offsets = [5], sizes = [1], strides = [1]} : vector<16xi32> to vector<1xi32>
      %squeeze3A_43 = vector.extract %slice3A_42[0] : i32 from vector<1xi32>
      %min3A_44 = arith.minsi %min3A_41, %squeeze3A_43 : i32
      %slice3A_45 = vector.extract_strided_slice %scan3A_25 {offsets = [6], sizes = [1], strides = [1]} : vector<16xi32> to vector<1xi32>
      %squeeze3A_46 = vector.extract %slice3A_45[0] : i32 from vector<1xi32>
      %min3A_47 = arith.minsi %min3A_44, %squeeze3A_46 : i32
      %slice3A_48 = vector.extract_strided_slice %scan3A_25 {offsets = [7], sizes = [1], strides = [1]} : vector<16xi32> to vector<1xi32>
      %squeeze3A_49 = vector.extract %slice3A_48[0] : i32 from vector<1xi32>
      %min3A_50 = arith.minsi %min3A_47, %squeeze3A_49 : i32
      %slice3A_51 = vector.extract_strided_slice %scan3A_25 {offsets = [8], sizes = [1], strides = [1]} : vector<16xi32> to vector<1xi32>
      %squeeze3A_52 = vector.extract %slice3A_51[0] : i32 from vector<1xi32>
      %min3A_53 = arith.minsi %min3A_50, %squeeze3A_52 : i32
      %slice3A_54 = vector.extract_strided_slice %scan3A_25 {offsets = [9], sizes = [1], strides = [1]} : vector<16xi32> to vector<1xi32>
      %squeeze3A_55 = vector.extract %slice3A_54[0] : i32 from vector<1xi32>
      %min3A_56 = arith.minsi %min3A_53, %squeeze3A_55 : i32
      %slice3A_57 = vector.extract_strided_slice %scan3A_25 {offsets = [10], sizes = [1], strides = [1]} : vector<16xi32> to vector<1xi32>
      %squeeze3A_58 = vector.extract %slice3A_57[0] : i32 from vector<1xi32>
      %min3A_59 = arith.minsi %min3A_56, %squeeze3A_58 : i32
      %slice3A_60 = vector.extract_strided_slice %scan3A_25 {offsets = [11], sizes = [1], strides = [1]} : vector<16xi32> to vector<1xi32>
      %squeeze3A_61 = vector.extract %slice3A_60[0] : i32 from vector<1xi32>
      %min3A_62 = arith.minsi %min3A_59, %squeeze3A_61 : i32
      %slice3A_63 = vector.extract_strided_slice %scan3A_25 {offsets = [12], sizes = [1], strides = [1]} : vector<16xi32> to vector<1xi32>
      %squeeze3A_64 = vector.extract %slice3A_63[0] : i32 from vector<1xi32>
      %min3A_65 = arith.minsi %min3A_62, %squeeze3A_64 : i32
      %slice3A_66 = vector.extract_strided_slice %scan3A_25 {offsets = [13], sizes = [1], strides = [1]} : vector<16xi32> to vector<1xi32>
      %squeeze3A_67 = vector.extract %slice3A_66[0] : i32 from vector<1xi32>
      %min3A_68 = arith.minsi %min3A_65, %squeeze3A_67 : i32
      %slice3A_69 = vector.extract_strided_slice %scan3A_25 {offsets = [14], sizes = [1], strides = [1]} : vector<16xi32> to vector<1xi32>
      %squeeze3A_70 = vector.extract %slice3A_69[0] : i32 from vector<1xi32>
      %min3A_71 = arith.minsi %min3A_68, %squeeze3A_70 : i32
      %slice3A_72 = vector.extract_strided_slice %scan3A_25 {offsets = [15], sizes = [1], strides = [1]} : vector<16xi32> to vector<1xi32>
      %squeeze3A_73 = vector.extract %slice3A_72[0] : i32 from vector<1xi32>
      %min3A_74 = arith.minsi %min3A_71, %squeeze3A_73 : i32
      %eq3A = arith.constant 0 : i32
      %eq3A_75 = arith.cmpi eq, %min3A_74, %eq3A : i32
      %convert_element_type3A = arith.extui %eq3A_75 : i1 to i32
      %cond3A = arith.constant 0 : i32
      %cond3A_76 = arith.cmpi ne, %convert_element_type3A, %cond3A : i32
      scf.if %cond3A_76 {
        %broadcast_in_dim3A_82 = arith.constant 0.000000e+00 : f32
        %broadcast_in_dim3A_83 = vector.broadcast %broadcast_in_dim3A_82 : f32 to vector<16xf32>
        %scan3A_84 = arith.constant 0 : i32
        %scan3A_85 = arith.constant 0 : i32
        %scan3A_86 = arith.constant 104 : i32
        %scan3A_87 = arith.addi %scan3A_85, %scan3A_86 : i32
        %scan3A_88 = arith.constant 1 : i32
        scf.for %scan3A_90 = %scan3A_85 to %scan3A_87 step %scan3A_88  : i32 {
          %jit3A = arith.constant 4 : i32
          %div3A = arith.divsi %scan3A_90, %jit3A : i32
          %sign3A = arith.constant 0 : i32
          %sign3A_91 = arith.cmpi sgt, %scan3A_90, %sign3A : i32
          %sign3A_92 = arith.extui %sign3A_91 : i1 to i32
          %sign3A_93 = arith.constant 0 : i32
          %sign3A_94 = arith.cmpi slt, %scan3A_90, %sign3A_93 : i32
          %sign3A_95 = arith.extui %sign3A_94 : i1 to i32
          %sign3A_96 = arith.subi %sign3A_92, %sign3A_95 : i32
          %sign3A_97 = arith.constant 0 : i32
          %sign3A_98 = arith.cmpi sgt, %jit3A, %sign3A_97 : i32
          %sign3A_99 = arith.extui %sign3A_98 : i1 to i32
          %sign3A_100 = arith.constant 0 : i32
          %sign3A_101 = arith.cmpi slt, %jit3A, %sign3A_100 : i32
          %sign3A_102 = arith.extui %sign3A_101 : i1 to i32
          %sign3A_103 = arith.subi %sign3A_99, %sign3A_102 : i32
          %ne3A = arith.cmpi ne, %sign3A_96, %sign3A_103 : i32
          %rem3A = arith.remsi %scan3A_90, %jit3A : i32
          %ne3A_104 = arith.constant 0 : i32
          %ne3A_105 = arith.cmpi ne, %rem3A, %ne3A_104 : i32
          %and3A = arith.andi %ne3A, %ne3A_105 : i1
          %sub3A = arith.constant 1 : i32
          %sub3A_106 = arith.subi %div3A, %sub3A : i32
          %select_n3A = arith.select %and3A, %sub3A_106, %div3A : i32
          %mul3A_107 = arith.constant 4 : i32
          %mul3A_108 = arith.muli %select_n3A, %mul3A_107 : i32
          %sub3A_109 = arith.subi %scan3A_90, %mul3A_108 : i32
          %mul3A_110 = arith.constant 16 : i32
          %mul3A_111 = arith.muli %sub3A_109, %mul3A_110 : i32
          %mul3A_112 = arith.constant 26 : i32
          %mul3A_113 = arith.muli %mul3A_111, %mul3A_112 : i32
          %add3A_114 = arith.addi %mul3A_113, %select_n3A : i32
          %add3A_115 = vector.broadcast %add3A_114 : i32 to vector<16xi32>
          %add3A_116 = arith.addi %mul3A_5, %add3A_115 : vector<16xi32>
          %gather3A = tpu.vector_load_idx %arg5[%add3A_116] : memref<1664xi32, #tpu.memory_space<vmem>>[vector<16xi32>], vector<16xi32>,
          %eq3A_117 = arith.constant 0 : i32
          %eq3A_118 = vector.broadcast %eq3A_117 : i32 to vector<16xi32>
          %eq3A_119 = arith.cmpi eq, %gather3A, %eq3A_118 : vector<16xi32>
          %mul3A_120 = arith.constant 64 : i32
          %mul3A_121 = arith.muli %select_n3A, %mul3A_120 : i32
          %mul3A_122 = arith.constant 16 : i32
          %mul3A_123 = arith.muli %sub3A_109, %mul3A_122 : i32
          %add3A_124 = arith.addi %mul3A_121, %mul3A_123 : i32
          %add3A_125 = vector.broadcast %add3A_124 : i32 to vector<16xi32>
          %add3A_126 = arith.addi %add3A_125, %iota3A : vector<16xi32>
          %broadcast_in_dim3A_127 = arith.constant 0 : i32
          %broadcast_in_dim3A_128 = vector.broadcast %broadcast_in_dim3A_127 : i32 to vector<16xi32>
          tpu.vector_store_idx %arg7[%add3A_126, %broadcast_in_dim3A_128], %broadcast_in_dim3A_83 masked %eq3A_119 : memref<1664x32xf32, #tpu.memory_space<vmem>>[vector<16xi32>, vector<16xi32>], vector<16xf32>, vector<16xi1>
          %broadcast_in_dim3A_129 = arith.constant 1 : i32
          %broadcast_in_dim3A_130 = vector.broadcast %broadcast_in_dim3A_129 : i32 to vector<16xi32>
          tpu.vector_store_idx %arg7[%add3A_126, %broadcast_in_dim3A_130], %broadcast_in_dim3A_83 masked %eq3A_119 : memref<1664x32xf32, #tpu.memory_space<vmem>>[vector<16xi32>, vector<16xi32>], vector<16xf32>, vector<16xi1>
          %broadcast_in_dim3A_131 = arith.constant 2 : i32
          %broadcast_in_dim3A_132 = vector.broadcast %broadcast_in_dim3A_131 : i32 to vector<16xi32>
          tpu.vector_store_idx %arg7[%add3A_126, %broadcast_in_dim3A_132], %broadcast_in_dim3A_83 masked %eq3A_119 : memref<1664x32xf32, #tpu.memory_space<vmem>>[vector<16xi32>, vector<16xi32>], vector<16xf32>, vector<16xi1>
          %broadcast_in_dim3A_133 = arith.constant 3 : i32
          %broadcast_in_dim3A_134 = vector.broadcast %broadcast_in_dim3A_133 : i32 to vector<16xi32>
          tpu.vector_store_idx %arg7[%add3A_126, %broadcast_in_dim3A_134], %broadcast_in_dim3A_83 masked %eq3A_119 : memref<1664x32xf32, #tpu.memory_space<vmem>>[vector<16xi32>, vector<16xi32>], vector<16xf32>, vector<16xi1>
          %broadcast_in_dim3A_135 = arith.constant 4 : i32
          %broadcast_in_dim3A_136 = vector.broadcast %broadcast_in_dim3A_135 : i32 to vector<16xi32>
          tpu.vector_store_idx %arg7[%add3A_126, %broadcast_in_dim3A_136], %broadcast_in_dim3A_83 masked %eq3A_119 : memref<1664x32xf32, #tpu.memory_space<vmem>>[vector<16xi32>, vector<16xi32>], vector<16xf32>, vector<16xi1>
          %broadcast_in_dim3A_137 = arith.constant 5 : i32
          %broadcast_in_dim3A_138 = vector.broadcast %broadcast_in_dim3A_137 : i32 to vector<16xi32>
          tpu.vector_store_idx %arg7[%add3A_126, %broadcast_in_dim3A_138], %broadcast_in_dim3A_83 masked %eq3A_119 : memref<1664x32xf32, #tpu.memory_space<vmem>>[vector<16xi32>, vector<16xi32>], vector<16xf32>, vector<16xi1>
          %broadcast_in_dim3A_139 = arith.constant 6 : i32
          %broadcast_in_dim3A_140 = vector.broadcast %broadcast_in_dim3A_139 : i32 to vector<16xi32>
          tpu.vector_store_idx %arg7[%add3A_126, %broadcast_in_dim3A_140], %broadcast_in_dim3A_83 masked %eq3A_119 : memref<1664x32xf32, #tpu.memory_space<vmem>>[vector<16xi32>, vector<16xi32>], vector<16xf32>, vector<16xi1>
          %broadcast_in_dim3A_141 = arith.constant 7 : i32
          %broadcast_in_dim3A_142 = vector.broadcast %broadcast_in_dim3A_141 : i32 to vector<16xi32>
          tpu.vector_store_idx %arg7[%add3A_126, %broadcast_in_dim3A_142], %broadcast_in_dim3A_83 masked %eq3A_119 : memref<1664x32xf32, #tpu.memory_space<vmem>>[vector<16xi32>, vector<16xi32>], vector<16xf32>, vector<16xi1>
          %broadcast_in_dim3A_143 = arith.constant 8 : i32
          %broadcast_in_dim3A_144 = vector.broadcast %broadcast_in_dim3A_143 : i32 to vector<16xi32>
          tpu.vector_store_idx %arg7[%add3A_126, %broadcast_in_dim3A_144], %broadcast_in_dim3A_83 masked %eq3A_119 : memref<1664x32xf32, #tpu.memory_space<vmem>>[vector<16xi32>, vector<16xi32>], vector<16xf32>, vector<16xi1>
          %broadcast_in_dim3A_145 = arith.constant 9 : i32
          %broadcast_in_dim3A_146 = vector.broadcast %broadcast_in_dim3A_145 : i32 to vector<16xi32>
          tpu.vector_store_idx %arg7[%add3A_126, %broadcast_in_dim3A_146], %broadcast_in_dim3A_83 masked %eq3A_119 : memref<1664x32xf32, #tpu.memory_space<vmem>>[vector<16xi32>, vector<16xi32>], vector<16xf32>, vector<16xi1>
          %broadcast_in_dim3A_147 = arith.constant 10 : i32
          %broadcast_in_dim3A_148 = vector.broadcast %broadcast_in_dim3A_147 : i32 to vector<16xi32>
          tpu.vector_store_idx %arg7[%add3A_126, %broadcast_in_dim3A_148], %broadcast_in_dim3A_83 masked %eq3A_119 : memref<1664x32xf32, #tpu.memory_space<vmem>>[vector<16xi32>, vector<16xi32>], vector<16xf32>, vector<16xi1>
          %broadcast_in_dim3A_149 = arith.constant 11 : i32
          %broadcast_in_dim3A_150 = vector.broadcast %broadcast_in_dim3A_149 : i32 to vector<16xi32>
          tpu.vector_store_idx %arg7[%add3A_126, %broadcast_in_dim3A_150], %broadcast_in_dim3A_83 masked %eq3A_119 : memref<1664x32xf32, #tpu.memory_space<vmem>>[vector<16xi32>, vector<16xi32>], vector<16xf32>, vector<16xi1>
          %broadcast_in_dim3A_151 = arith.constant 12 : i32
          %broadcast_in_dim3A_152 = vector.broadcast %broadcast_in_dim3A_151 : i32 to vector<16xi32>
          tpu.vector_store_idx %arg7[%add3A_126, %broadcast_in_dim3A_152], %broadcast_in_dim3A_83 masked %eq3A_119 : memref<1664x32xf32, #tpu.memory_space<vmem>>[vector<16xi32>, vector<16xi32>], vector<16xf32>, vector<16xi1>
          %broadcast_in_dim3A_153 = arith.constant 13 : i32
          %broadcast_in_dim3A_154 = vector.broadcast %broadcast_in_dim3A_153 : i32 to vector<16xi32>
          tpu.vector_store_idx %arg7[%add3A_126, %broadcast_in_dim3A_154], %broadcast_in_dim3A_83 masked %eq3A_119 : memref<1664x32xf32, #tpu.memory_space<vmem>>[vector<16xi32>, vector<16xi32>], vector<16xf32>, vector<16xi1>
          %broadcast_in_dim3A_155 = arith.constant 14 : i32
          %broadcast_in_dim3A_156 = vector.broadcast %broadcast_in_dim3A_155 : i32 to vector<16xi32>
          tpu.vector_store_idx %arg7[%add3A_126, %broadcast_in_dim3A_156], %broadcast_in_dim3A_83 masked %eq3A_119 : memref<1664x32xf32, #tpu.memory_space<vmem>>[vector<16xi32>, vector<16xi32>], vector<16xf32>, vector<16xi1>
          %broadcast_in_dim3A_157 = arith.constant 15 : i32
          %broadcast_in_dim3A_158 = vector.broadcast %broadcast_in_dim3A_157 : i32 to vector<16xi32>
          tpu.vector_store_idx %arg7[%add3A_126, %broadcast_in_dim3A_158], %broadcast_in_dim3A_83 masked %eq3A_119 : memref<1664x32xf32, #tpu.memory_space<vmem>>[vector<16xi32>, vector<16xi32>], vector<16xf32>, vector<16xi1>
          %broadcast_in_dim3A_159 = arith.constant 16 : i32
          %broadcast_in_dim3A_160 = vector.broadcast %broadcast_in_dim3A_159 : i32 to vector<16xi32>
          tpu.vector_store_idx %arg7[%add3A_126, %broadcast_in_dim3A_160], %broadcast_in_dim3A_83 masked %eq3A_119 : memref<1664x32xf32, #tpu.memory_space<vmem>>[vector<16xi32>, vector<16xi32>], vector<16xf32>, vector<16xi1>
          %broadcast_in_dim3A_161 = arith.constant 17 : i32
          %broadcast_in_dim3A_162 = vector.broadcast %broadcast_in_dim3A_161 : i32 to vector<16xi32>
          tpu.vector_store_idx %arg7[%add3A_126, %broadcast_in_dim3A_162], %broadcast_in_dim3A_83 masked %eq3A_119 : memref<1664x32xf32, #tpu.memory_space<vmem>>[vector<16xi32>, vector<16xi32>], vector<16xf32>, vector<16xi1>
          %broadcast_in_dim3A_163 = arith.constant 18 : i32
          %broadcast_in_dim3A_164 = vector.broadcast %broadcast_in_dim3A_163 : i32 to vector<16xi32>
          tpu.vector_store_idx %arg7[%add3A_126, %broadcast_in_dim3A_164], %broadcast_in_dim3A_83 masked %eq3A_119 : memref<1664x32xf32, #tpu.memory_space<vmem>>[vector<16xi32>, vector<16xi32>], vector<16xf32>, vector<16xi1>
          %broadcast_in_dim3A_165 = arith.constant 19 : i32
          %broadcast_in_dim3A_166 = vector.broadcast %broadcast_in_dim3A_165 : i32 to vector<16xi32>
          tpu.vector_store_idx %arg7[%add3A_126, %broadcast_in_dim3A_166], %broadcast_in_dim3A_83 masked %eq3A_119 : memref<1664x32xf32, #tpu.memory_space<vmem>>[vector<16xi32>, vector<16xi32>], vector<16xf32>, vector<16xi1>
          %broadcast_in_dim3A_167 = arith.constant 20 : i32
          %broadcast_in_dim3A_168 = vector.broadcast %broadcast_in_dim3A_167 : i32 to vector<16xi32>
          tpu.vector_store_idx %arg7[%add3A_126, %broadcast_in_dim3A_168], %broadcast_in_dim3A_83 masked %eq3A_119 : memref<1664x32xf32, #tpu.memory_space<vmem>>[vector<16xi32>, vector<16xi32>], vector<16xf32>, vector<16xi1>
          %broadcast_in_dim3A_169 = arith.constant 21 : i32
          %broadcast_in_dim3A_170 = vector.broadcast %broadcast_in_dim3A_169 : i32 to vector<16xi32>
          tpu.vector_store_idx %arg7[%add3A_126, %broadcast_in_dim3A_170], %broadcast_in_dim3A_83 masked %eq3A_119 : memref<1664x32xf32, #tpu.memory_space<vmem>>[vector<16xi32>, vector<16xi32>], vector<16xf32>, vector<16xi1>
          %broadcast_in_dim3A_171 = arith.constant 22 : i32
          %broadcast_in_dim3A_172 = vector.broadcast %broadcast_in_dim3A_171 : i32 to vector<16xi32>
          tpu.vector_store_idx %arg7[%add3A_126, %broadcast_in_dim3A_172], %broadcast_in_dim3A_83 masked %eq3A_119 : memref<1664x32xf32, #tpu.memory_space<vmem>>[vector<16xi32>, vector<16xi32>], vector<16xf32>, vector<16xi1>
          %broadcast_in_dim3A_173 = arith.constant 23 : i32
          %broadcast_in_dim3A_174 = vector.broadcast %broadcast_in_dim3A_173 : i32 to vector<16xi32>
          tpu.vector_store_idx %arg7[%add3A_126, %broadcast_in_dim3A_174], %broadcast_in_dim3A_83 masked %eq3A_119 : memref<1664x32xf32, #tpu.memory_space<vmem>>[vector<16xi32>, vector<16xi32>], vector<16xf32>, vector<16xi1>
          %broadcast_in_dim3A_175 = arith.constant 24 : i32
          %broadcast_in_dim3A_176 = vector.broadcast %broadcast_in_dim3A_175 : i32 to vector<16xi32>
          tpu.vector_store_idx %arg7[%add3A_126, %broadcast_in_dim3A_176], %broadcast_in_dim3A_83 masked %eq3A_119 : memref<1664x32xf32, #tpu.memory_space<vmem>>[vector<16xi32>, vector<16xi32>], vector<16xf32>, vector<16xi1>
          %broadcast_in_dim3A_177 = arith.constant 25 : i32
          %broadcast_in_dim3A_178 = vector.broadcast %broadcast_in_dim3A_177 : i32 to vector<16xi32>
          tpu.vector_store_idx %arg7[%add3A_126, %broadcast_in_dim3A_178], %broadcast_in_dim3A_83 masked %eq3A_119 : memref<1664x32xf32, #tpu.memory_space<vmem>>[vector<16xi32>, vector<16xi32>], vector<16xf32>, vector<16xi1>
          %broadcast_in_dim3A_179 = arith.constant 26 : i32
          %broadcast_in_dim3A_180 = vector.broadcast %broadcast_in_dim3A_179 : i32 to vector<16xi32>
          tpu.vector_store_idx %arg7[%add3A_126, %broadcast_in_dim3A_180], %broadcast_in_dim3A_83 masked %eq3A_119 : memref<1664x32xf32, #tpu.memory_space<vmem>>[vector<16xi32>, vector<16xi32>], vector<16xf32>, vector<16xi1>
          %broadcast_in_dim3A_181 = arith.constant 27 : i32
          %broadcast_in_dim3A_182 = vector.broadcast %broadcast_in_dim3A_181 : i32 to vector<16xi32>
          tpu.vector_store_idx %arg7[%add3A_126, %broadcast_in_dim3A_182], %broadcast_in_dim3A_83 masked %eq3A_119 : memref<1664x32xf32, #tpu.memory_space<vmem>>[vector<16xi32>, vector<16xi32>], vector<16xf32>, vector<16xi1>
          %broadcast_in_dim3A_183 = arith.constant 28 : i32
          %broadcast_in_dim3A_184 = vector.broadcast %broadcast_in_dim3A_183 : i32 to vector<16xi32>
          tpu.vector_store_idx %arg7[%add3A_126, %broadcast_in_dim3A_184], %broadcast_in_dim3A_83 masked %eq3A_119 : memref<1664x32xf32, #tpu.memory_space<vmem>>[vector<16xi32>, vector<16xi32>], vector<16xf32>, vector<16xi1>
          %broadcast_in_dim3A_185 = arith.constant 29 : i32
          %broadcast_in_dim3A_186 = vector.broadcast %broadcast_in_dim3A_185 : i32 to vector<16xi32>
          tpu.vector_store_idx %arg7[%add3A_126, %broadcast_in_dim3A_186], %broadcast_in_dim3A_83 masked %eq3A_119 : memref<1664x32xf32, #tpu.memory_space<vmem>>[vector<16xi32>, vector<16xi32>], vector<16xf32>, vector<16xi1>
          %broadcast_in_dim3A_187 = arith.constant 30 : i32
          %broadcast_in_dim3A_188 = vector.broadcast %broadcast_in_dim3A_187 : i32 to vector<16xi32>
          tpu.vector_store_idx %arg7[%add3A_126, %broadcast_in_dim3A_188], %broadcast_in_dim3A_83 masked %eq3A_119 : memref<1664x32xf32, #tpu.memory_space<vmem>>[vector<16xi32>, vector<16xi32>], vector<16xf32>, vector<16xi1>
          %broadcast_in_dim3A_189 = arith.constant 31 : i32
          %broadcast_in_dim3A_190 = vector.broadcast %broadcast_in_dim3A_189 : i32 to vector<16xi32>
          tpu.vector_store_idx %arg7[%add3A_126, %broadcast_in_dim3A_190], %broadcast_in_dim3A_83 masked %eq3A_119 : memref<1664x32xf32, #tpu.memory_space<vmem>>[vector<16xi32>, vector<16xi32>], vector<16xf32>, vector<16xi1>
        }
        %scan3A_89 = arith.constant 104 : i32
      } else {
      }
      %scan3A_77 = arith.constant 0 : i32
      %scan3A_78 = arith.constant 26 : i32
      %scan3A_79 = arith.addi %scan3A_77, %scan3A_78 : i32
      %scan3A_80 = arith.constant 1 : i32
      scf.for %scan3A_82 = %scan3A_77 to %scan3A_79 step %scan3A_80  : i32 {
        %mul3A_83 = arith.constant 1 : i32
        %mul3A_84 = arith.muli %scan3A_82, %mul3A_83 : i32
        %add3A_85 = arith.constant 0 : i32
        %add3A_86 = arith.addi %add3A_85, %mul3A_84 : i32
        %mul3A_87 = arith.constant 64 : i32
        %mul3A_88 = arith.muli %add3A_86, %mul3A_87 : i32
        %mul3A_89 = arith.constant 32 : i32
        %mul3A_90 = arith.muli %add3A_86, %mul3A_89 : i32
        %add3A_91 = arith.constant 0 : i32
        %add3A_92 = arith.addi %mul3A_90, %add3A_91 : i32
        %add3A_93 = vector.broadcast %add3A_92 : i32 to vector<16xi32>
        %add3A_94 = arith.addi %iota3A, %add3A_93 : vector<16xi32>
        %mul3A_95 = arith.constant 32 : i32
        %mul3A_96 = arith.muli %add3A_86, %mul3A_95 : i32
        %add3A_97 = arith.constant 16 : i32
        %add3A_98 = arith.addi %mul3A_96, %add3A_97 : i32
        %add3A_99 = vector.broadcast %add3A_98 : i32 to vector<16xi32>
        %add3A_100 = arith.addi %iota3A, %add3A_99 : vector<16xi32>
        %add3A_101 = arith.constant 0 : i32
        %add3A_102 = arith.addi %mul3A_88, %add3A_101 : i32
        %get3A = arith.index_cast %add3A_102 : i32 to index
        %get3A_103 = arith.constant 0 : index
        %get3A_104 = tpu.vector_load %arg7[%get3A, %get3A_103] {strides = array<i32>} : memref<1664x32xf32, #tpu.memory_space<vmem>>, vector<16xf32>,
        %add3A_105 = arith.constant 0 : i32
        %add3A_106 = arith.addi %mul3A_88, %add3A_105 : i32
        %get3A_107 = arith.index_cast %add3A_106 : i32 to index
        %get3A_108 = arith.constant 16 : index
        %get3A_109 = tpu.vector_load %arg7[%get3A_107, %get3A_108] {strides = array<i32>} : memref<1664x32xf32, #tpu.memory_space<vmem>>, vector<16xf32>,
        %add3A_110 = arith.constant 1 : i32
        %add3A_111 = arith.addi %mul3A_88, %add3A_110 : i32
        %get3A_112 = arith.index_cast %add3A_111 : i32 to index
        %get3A_113 = arith.constant 0 : index
        %get3A_114 = tpu.vector_load %arg7[%get3A_112, %get3A_113] {strides = array<i32>} : memref<1664x32xf32, #tpu.memory_space<vmem>>, vector<16xf32>,
        %add3A_115 = arith.constant 1 : i32
        %add3A_116 = arith.addi %mul3A_88, %add3A_115 : i32
        %get3A_117 = arith.index_cast %add3A_116 : i32 to index
        %get3A_118 = arith.constant 16 : index
        %get3A_119 = tpu.vector_load %arg7[%get3A_117, %get3A_118] {strides = array<i32>} : memref<1664x32xf32, #tpu.memory_space<vmem>>, vector<16xf32>,
        %add3A_120 = arith.constant 2 : i32
        %add3A_121 = arith.addi %mul3A_88, %add3A_120 : i32
        %get3A_122 = arith.index_cast %add3A_121 : i32 to index
        %get3A_123 = arith.constant 0 : index
        %get3A_124 = tpu.vector_load %arg7[%get3A_122, %get3A_123] {strides = array<i32>} : memref<1664x32xf32, #tpu.memory_space<vmem>>, vector<16xf32>,
        %add3A_125 = arith.constant 2 : i32
        %add3A_126 = arith.addi %mul3A_88, %add3A_125 : i32
        %get3A_127 = arith.index_cast %add3A_126 : i32 to index
        %get3A_128 = arith.constant 16 : index
        %get3A_129 = tpu.vector_load %arg7[%get3A_127, %get3A_128] {strides = array<i32>} : memref<1664x32xf32, #tpu.memory_space<vmem>>, vector<16xf32>,
        %add3A_130 = arith.constant 3 : i32
        %add3A_131 = arith.addi %mul3A_88, %add3A_130 : i32
        %get3A_132 = arith.index_cast %add3A_131 : i32 to index
        %get3A_133 = arith.constant 0 : index
        %get3A_134 = tpu.vector_load %arg7[%get3A_132, %get3A_133] {strides = array<i32>} : memref<1664x32xf32, #tpu.memory_space<vmem>>, vector<16xf32>,
        %add3A_135 = arith.constant 3 : i32
        %add3A_136 = arith.addi %mul3A_88, %add3A_135 : i32
        %get3A_137 = arith.index_cast %add3A_136 : i32 to index
        %get3A_138 = arith.constant 16 : index
        %get3A_139 = tpu.vector_load %arg7[%get3A_137, %get3A_138] {strides = array<i32>} : memref<1664x32xf32, #tpu.memory_space<vmem>>, vector<16xf32>,
        %add3A_140 = arith.constant 4 : i32
        %add3A_141 = arith.addi %mul3A_88, %add3A_140 : i32
        %get3A_142 = arith.index_cast %add3A_141 : i32 to index
        %get3A_143 = arith.constant 0 : index
        %get3A_144 = tpu.vector_load %arg7[%get3A_142, %get3A_143] {strides = array<i32>} : memref<1664x32xf32, #tpu.memory_space<vmem>>, vector<16xf32>,
        %add3A_145 = arith.constant 4 : i32
        %add3A_146 = arith.addi %mul3A_88, %add3A_145 : i32
        %get3A_147 = arith.index_cast %add3A_146 : i32 to index
        %get3A_148 = arith.constant 16 : index
        %get3A_149 = tpu.vector_load %arg7[%get3A_147, %get3A_148] {strides = array<i32>} : memref<1664x32xf32, #tpu.memory_space<vmem>>, vector<16xf32>,
        %add3A_150 = arith.constant 5 : i32
        %add3A_151 = arith.addi %mul3A_88, %add3A_150 : i32
        %get3A_152 = arith.index_cast %add3A_151 : i32 to index
        %get3A_153 = arith.constant 0 : index
        %get3A_154 = tpu.vector_load %arg7[%get3A_152, %get3A_153] {strides = array<i32>} : memref<1664x32xf32, #tpu.memory_space<vmem>>, vector<16xf32>,
        %add3A_155 = arith.constant 5 : i32
        %add3A_156 = arith.addi %mul3A_88, %add3A_155 : i32
        %get3A_157 = arith.index_cast %add3A_156 : i32 to index
        %get3A_158 = arith.constant 16 : index
        %get3A_159 = tpu.vector_load %arg7[%get3A_157, %get3A_158] {strides = array<i32>} : memref<1664x32xf32, #tpu.memory_space<vmem>>, vector<16xf32>,
        %add3A_160 = arith.constant 6 : i32
        %add3A_161 = arith.addi %mul3A_88, %add3A_160 : i32
        %get3A_162 = arith.index_cast %add3A_161 : i32 to index
        %get3A_163 = arith.constant 0 : index
        %get3A_164 = tpu.vector_load %arg7[%get3A_162, %get3A_163] {strides = array<i32>} : memref<1664x32xf32, #tpu.memory_space<vmem>>, vector<16xf32>,
        %add3A_165 = arith.constant 6 : i32
        %add3A_166 = arith.addi %mul3A_88, %add3A_165 : i32
        %get3A_167 = arith.index_cast %add3A_166 : i32 to index
        %get3A_168 = arith.constant 16 : index
        %get3A_169 = tpu.vector_load %arg7[%get3A_167, %get3A_168] {strides = array<i32>} : memref<1664x32xf32, #tpu.memory_space<vmem>>, vector<16xf32>,
        %add3A_170 = arith.constant 7 : i32
        %add3A_171 = arith.addi %mul3A_88, %add3A_170 : i32
        %get3A_172 = arith.index_cast %add3A_171 : i32 to index
        %get3A_173 = arith.constant 0 : index
        %get3A_174 = tpu.vector_load %arg7[%get3A_172, %get3A_173] {strides = array<i32>} : memref<1664x32xf32, #tpu.memory_space<vmem>>, vector<16xf32>,
        %add3A_175 = arith.constant 7 : i32
        %add3A_176 = arith.addi %mul3A_88, %add3A_175 : i32
        %get3A_177 = arith.index_cast %add3A_176 : i32 to index
        %get3A_178 = arith.constant 16 : index
        %get3A_179 = tpu.vector_load %arg7[%get3A_177, %get3A_178] {strides = array<i32>} : memref<1664x32xf32, #tpu.memory_space<vmem>>, vector<16xf32>,
        %broadcast_in_dim3A_180 = arith.constant 0 : i32
        %broadcast_in_dim3A_181 = vector.broadcast %broadcast_in_dim3A_180 : i32 to vector<16xi32>
        tpu.vector_store_idx %arg8[%add3A_94, %broadcast_in_dim3A_181], %get3A_104 : memref<832x65xf32, #tpu.memory_space<vmem>>[vector<16xi32>, vector<16xi32>], vector<16xf32>,
        %broadcast_in_dim3A_182 = arith.constant 0 : i32
        %broadcast_in_dim3A_183 = vector.broadcast %broadcast_in_dim3A_182 : i32 to vector<16xi32>
        tpu.vector_store_idx %arg8[%add3A_100, %broadcast_in_dim3A_183], %get3A_109 : memref<832x65xf32, #tpu.memory_space<vmem>>[vector<16xi32>, vector<16xi32>], vector<16xf32>,
        %broadcast_in_dim3A_184 = arith.constant 1 : i32
        %broadcast_in_dim3A_185 = vector.broadcast %broadcast_in_dim3A_184 : i32 to vector<16xi32>
        tpu.vector_store_idx %arg8[%add3A_94, %broadcast_in_dim3A_185], %get3A_114 : memref<832x65xf32, #tpu.memory_space<vmem>>[vector<16xi32>, vector<16xi32>], vector<16xf32>,
        %broadcast_in_dim3A_186 = arith.constant 1 : i32
        %broadcast_in_dim3A_187 = vector.broadcast %broadcast_in_dim3A_186 : i32 to vector<16xi32>
        tpu.vector_store_idx %arg8[%add3A_100, %broadcast_in_dim3A_187], %get3A_119 : memref<832x65xf32, #tpu.memory_space<vmem>>[vector<16xi32>, vector<16xi32>], vector<16xf32>,
        %broadcast_in_dim3A_188 = arith.constant 2 : i32
        %broadcast_in_dim3A_189 = vector.broadcast %broadcast_in_dim3A_188 : i32 to vector<16xi32>
        tpu.vector_store_idx %arg8[%add3A_94, %broadcast_in_dim3A_189], %get3A_124 : memref<832x65xf32, #tpu.memory_space<vmem>>[vector<16xi32>, vector<16xi32>], vector<16xf32>,
        %broadcast_in_dim3A_190 = arith.constant 2 : i32
        %broadcast_in_dim3A_191 = vector.broadcast %broadcast_in_dim3A_190 : i32 to vector<16xi32>
        tpu.vector_store_idx %arg8[%add3A_100, %broadcast_in_dim3A_191], %get3A_129 : memref<832x65xf32, #tpu.memory_space<vmem>>[vector<16xi32>, vector<16xi32>], vector<16xf32>,
        %broadcast_in_dim3A_192 = arith.constant 3 : i32
        %broadcast_in_dim3A_193 = vector.broadcast %broadcast_in_dim3A_192 : i32 to vector<16xi32>
        tpu.vector_store_idx %arg8[%add3A_94, %broadcast_in_dim3A_193], %get3A_134 : memref<832x65xf32, #tpu.memory_space<vmem>>[vector<16xi32>, vector<16xi32>], vector<16xf32>,
        %broadcast_in_dim3A_194 = arith.constant 3 : i32
        %broadcast_in_dim3A_195 = vector.broadcast %broadcast_in_dim3A_194 : i32 to vector<16xi32>
        tpu.vector_store_idx %arg8[%add3A_100, %broadcast_in_dim3A_195], %get3A_139 : memref<832x65xf32, #tpu.memory_space<vmem>>[vector<16xi32>, vector<16xi32>], vector<16xf32>,
        %broadcast_in_dim3A_196 = arith.constant 4 : i32
        %broadcast_in_dim3A_197 = vector.broadcast %broadcast_in_dim3A_196 : i32 to vector<16xi32>
        tpu.vector_store_idx %arg8[%add3A_94, %broadcast_in_dim3A_197], %get3A_144 : memref<832x65xf32, #tpu.memory_space<vmem>>[vector<16xi32>, vector<16xi32>], vector<16xf32>,
        %broadcast_in_dim3A_198 = arith.constant 4 : i32
        %broadcast_in_dim3A_199 = vector.broadcast %broadcast_in_dim3A_198 : i32 to vector<16xi32>
        tpu.vector_store_idx %arg8[%add3A_100, %broadcast_in_dim3A_199], %get3A_149 : memref<832x65xf32, #tpu.memory_space<vmem>>[vector<16xi32>, vector<16xi32>], vector<16xf32>,
        %broadcast_in_dim3A_200 = arith.constant 5 : i32
        %broadcast_in_dim3A_201 = vector.broadcast %broadcast_in_dim3A_200 : i32 to vector<16xi32>
        tpu.vector_store_idx %arg8[%add3A_94, %broadcast_in_dim3A_201], %get3A_154 : memref<832x65xf32, #tpu.memory_space<vmem>>[vector<16xi32>, vector<16xi32>], vector<16xf32>,
        %broadcast_in_dim3A_202 = arith.constant 5 : i32
        %broadcast_in_dim3A_203 = vector.broadcast %broadcast_in_dim3A_202 : i32 to vector<16xi32>
        tpu.vector_store_idx %arg8[%add3A_100, %broadcast_in_dim3A_203], %get3A_159 : memref<832x65xf32, #tpu.memory_space<vmem>>[vector<16xi32>, vector<16xi32>], vector<16xf32>,
        %broadcast_in_dim3A_204 = arith.constant 6 : i32
        %broadcast_in_dim3A_205 = vector.broadcast %broadcast_in_dim3A_204 : i32 to vector<16xi32>
        tpu.vector_store_idx %arg8[%add3A_94, %broadcast_in_dim3A_205], %get3A_164 : memref<832x65xf32, #tpu.memory_space<vmem>>[vector<16xi32>, vector<16xi32>], vector<16xf32>,
        %broadcast_in_dim3A_206 = arith.constant 6 : i32
        %broadcast_in_dim3A_207 = vector.broadcast %broadcast_in_dim3A_206 : i32 to vector<16xi32>
        tpu.vector_store_idx %arg8[%add3A_100, %broadcast_in_dim3A_207], %get3A_169 : memref<832x65xf32, #tpu.memory_space<vmem>>[vector<16xi32>, vector<16xi32>], vector<16xf32>,
        %broadcast_in_dim3A_208 = arith.constant 7 : i32
        %broadcast_in_dim3A_209 = vector.broadcast %broadcast_in_dim3A_208 : i32 to vector<16xi32>
        tpu.vector_store_idx %arg8[%add3A_94, %broadcast_in_dim3A_209], %get3A_174 : memref<832x65xf32, #tpu.memory_space<vmem>>[vector<16xi32>, vector<16xi32>], vector<16xf32>,
        %broadcast_in_dim3A_210 = arith.constant 7 : i32
        %broadcast_in_dim3A_211 = vector.broadcast %broadcast_in_dim3A_210 : i32 to vector<16xi32>
        tpu.vector_store_idx %arg8[%add3A_100, %broadcast_in_dim3A_211], %get3A_179 : memref<832x65xf32, #tpu.memory_space<vmem>>[vector<16xi32>, vector<16xi32>], vector<16xf32>,
        %add3A_212 = arith.constant 8 : i32
        %add3A_213 = arith.addi %mul3A_88, %add3A_212 : i32
        %get3A_214 = arith.index_cast %add3A_213 : i32 to index
        %get3A_215 = arith.constant 0 : index
        %get3A_216 = tpu.vector_load %arg7[%get3A_214, %get3A_215] {strides = array<i32>} : memref<1664x32xf32, #tpu.memory_space<vmem>>, vector<16xf32>,
        %add3A_217 = arith.constant 8 : i32
        %add3A_218 = arith.addi %mul3A_88, %add3A_217 : i32
        %get3A_219 = arith.index_cast %add3A_218 : i32 to index
        %get3A_220 = arith.constant 16 : index
        %get3A_221 = tpu.vector_load %arg7[%get3A_219, %get3A_220] {strides = array<i32>} : memref<1664x32xf32, #tpu.memory_space<vmem>>, vector<16xf32>,
        %add3A_222 = arith.constant 9 : i32
        %add3A_223 = arith.addi %mul3A_88, %add3A_222 : i32
        %get3A_224 = arith.index_cast %add3A_223 : i32 to index
        %get3A_225 = arith.constant 0 : index
        %get3A_226 = tpu.vector_load %arg7[%get3A_224, %get3A_225] {strides = array<i32>} : memref<1664x32xf32, #tpu.memory_space<vmem>>, vector<16xf32>,
        %add3A_227 = arith.constant 9 : i32
        %add3A_228 = arith.addi %mul3A_88, %add3A_227 : i32
        %get3A_229 = arith.index_cast %add3A_228 : i32 to index
        %get3A_230 = arith.constant 16 : index
        %get3A_231 = tpu.vector_load %arg7[%get3A_229, %get3A_230] {strides = array<i32>} : memref<1664x32xf32, #tpu.memory_space<vmem>>, vector<16xf32>,
        %add3A_232 = arith.constant 10 : i32
        %add3A_233 = arith.addi %mul3A_88, %add3A_232 : i32
        %get3A_234 = arith.index_cast %add3A_233 : i32 to index
        %get3A_235 = arith.constant 0 : index
        %get3A_236 = tpu.vector_load %arg7[%get3A_234, %get3A_235] {strides = array<i32>} : memref<1664x32xf32, #tpu.memory_space<vmem>>, vector<16xf32>,
        %add3A_237 = arith.constant 10 : i32
        %add3A_238 = arith.addi %mul3A_88, %add3A_237 : i32
        %get3A_239 = arith.index_cast %add3A_238 : i32 to index
        %get3A_240 = arith.constant 16 : index
        %get3A_241 = tpu.vector_load %arg7[%get3A_239, %get3A_240] {strides = array<i32>} : memref<1664x32xf32, #tpu.memory_space<vmem>>, vector<16xf32>,
        %add3A_242 = arith.constant 11 : i32
        %add3A_243 = arith.addi %mul3A_88, %add3A_242 : i32
        %get3A_244 = arith.index_cast %add3A_243 : i32 to index
        %get3A_245 = arith.constant 0 : index
        %get3A_246 = tpu.vector_load %arg7[%get3A_244, %get3A_245] {strides = array<i32>} : memref<1664x32xf32, #tpu.memory_space<vmem>>, vector<16xf32>,
        %add3A_247 = arith.constant 11 : i32
        %add3A_248 = arith.addi %mul3A_88, %add3A_247 : i32
        %get3A_249 = arith.index_cast %add3A_248 : i32 to index
        %get3A_250 = arith.constant 16 : index
        %get3A_251 = tpu.vector_load %arg7[%get3A_249, %get3A_250] {strides = array<i32>} : memref<1664x32xf32, #tpu.memory_space<vmem>>, vector<16xf32>,
        %add3A_252 = arith.constant 12 : i32
        %add3A_253 = arith.addi %mul3A_88, %add3A_252 : i32
        %get3A_254 = arith.index_cast %add3A_253 : i32 to index
        %get3A_255 = arith.constant 0 : index
        %get3A_256 = tpu.vector_load %arg7[%get3A_254, %get3A_255] {strides = array<i32>} : memref<1664x32xf32, #tpu.memory_space<vmem>>, vector<16xf32>,
        %add3A_257 = arith.constant 12 : i32
        %add3A_258 = arith.addi %mul3A_88, %add3A_257 : i32
        %get3A_259 = arith.index_cast %add3A_258 : i32 to index
        %get3A_260 = arith.constant 16 : index
        %get3A_261 = tpu.vector_load %arg7[%get3A_259, %get3A_260] {strides = array<i32>} : memref<1664x32xf32, #tpu.memory_space<vmem>>, vector<16xf32>,
        %add3A_262 = arith.constant 13 : i32
        %add3A_263 = arith.addi %mul3A_88, %add3A_262 : i32
        %get3A_264 = arith.index_cast %add3A_263 : i32 to index
        %get3A_265 = arith.constant 0 : index
        %get3A_266 = tpu.vector_load %arg7[%get3A_264, %get3A_265] {strides = array<i32>} : memref<1664x32xf32, #tpu.memory_space<vmem>>, vector<16xf32>,
        %add3A_267 = arith.constant 13 : i32
        %add3A_268 = arith.addi %mul3A_88, %add3A_267 : i32
        %get3A_269 = arith.index_cast %add3A_268 : i32 to index
        %get3A_270 = arith.constant 16 : index
        %get3A_271 = tpu.vector_load %arg7[%get3A_269, %get3A_270] {strides = array<i32>} : memref<1664x32xf32, #tpu.memory_space<vmem>>, vector<16xf32>,
        %add3A_272 = arith.constant 14 : i32
        %add3A_273 = arith.addi %mul3A_88, %add3A_272 : i32
        %get3A_274 = arith.index_cast %add3A_273 : i32 to index
        %get3A_275 = arith.constant 0 : index
        %get3A_276 = tpu.vector_load %arg7[%get3A_274, %get3A_275] {strides = array<i32>} : memref<1664x32xf32, #tpu.memory_space<vmem>>, vector<16xf32>,
        %add3A_277 = arith.constant 14 : i32
        %add3A_278 = arith.addi %mul3A_88, %add3A_277 : i32
        %get3A_279 = arith.index_cast %add3A_278 : i32 to index
        %get3A_280 = arith.constant 16 : index
        %get3A_281 = tpu.vector_load %arg7[%get3A_279, %get3A_280] {strides = array<i32>} : memref<1664x32xf32, #tpu.memory_space<vmem>>, vector<16xf32>,
        %add3A_282 = arith.constant 15 : i32
        %add3A_283 = arith.addi %mul3A_88, %add3A_282 : i32
        %get3A_284 = arith.index_cast %add3A_283 : i32 to index
        %get3A_285 = arith.constant 0 : index
        %get3A_286 = tpu.vector_load %arg7[%get3A_284, %get3A_285] {strides = array<i32>} : memref<1664x32xf32, #tpu.memory_space<vmem>>, vector<16xf32>,
        %add3A_287 = arith.constant 15 : i32
        %add3A_288 = arith.addi %mul3A_88, %add3A_287 : i32
        %get3A_289 = arith.index_cast %add3A_288 : i32 to index
        %get3A_290 = arith.constant 16 : index
        %get3A_291 = tpu.vector_load %arg7[%get3A_289, %get3A_290] {strides = array<i32>} : memref<1664x32xf32, #tpu.memory_space<vmem>>, vector<16xf32>,
        %broadcast_in_dim3A_292 = arith.constant 8 : i32
        %broadcast_in_dim3A_293 = vector.broadcast %broadcast_in_dim3A_292 : i32 to vector<16xi32>
        tpu.vector_store_idx %arg8[%add3A_94, %broadcast_in_dim3A_293], %get3A_216 : memref<832x65xf32, #tpu.memory_space<vmem>>[vector<16xi32>, vector<16xi32>], vector<16xf32>,
        %broadcast_in_dim3A_294 = arith.constant 8 : i32
        %broadcast_in_dim3A_295 = vector.broadcast %broadcast_in_dim3A_294 : i32 to vector<16xi32>
        tpu.vector_store_idx %arg8[%add3A_100, %broadcast_in_dim3A_295], %get3A_221 : memref<832x65xf32, #tpu.memory_space<vmem>>[vector<16xi32>, vector<16xi32>], vector<16xf32>,
        %broadcast_in_dim3A_296 = arith.constant 9 : i32
        %broadcast_in_dim3A_297 = vector.broadcast %broadcast_in_dim3A_296 : i32 to vector<16xi32>
        tpu.vector_store_idx %arg8[%add3A_94, %broadcast_in_dim3A_297], %get3A_226 : memref<832x65xf32, #tpu.memory_space<vmem>>[vector<16xi32>, vector<16xi32>], vector<16xf32>,
        %broadcast_in_dim3A_298 = arith.constant 9 : i32
        %broadcast_in_dim3A_299 = vector.broadcast %broadcast_in_dim3A_298 : i32 to vector<16xi32>
        tpu.vector_store_idx %arg8[%add3A_100, %broadcast_in_dim3A_299], %get3A_231 : memref<832x65xf32, #tpu.memory_space<vmem>>[vector<16xi32>, vector<16xi32>], vector<16xf32>,
        %broadcast_in_dim3A_300 = arith.constant 10 : i32
        %broadcast_in_dim3A_301 = vector.broadcast %broadcast_in_dim3A_300 : i32 to vector<16xi32>
        tpu.vector_store_idx %arg8[%add3A_94, %broadcast_in_dim3A_301], %get3A_236 : memref<832x65xf32, #tpu.memory_space<vmem>>[vector<16xi32>, vector<16xi32>], vector<16xf32>,
        %broadcast_in_dim3A_302 = arith.constant 10 : i32
        %broadcast_in_dim3A_303 = vector.broadcast %broadcast_in_dim3A_302 : i32 to vector<16xi32>
        tpu.vector_store_idx %arg8[%add3A_100, %broadcast_in_dim3A_303], %get3A_241 : memref<832x65xf32, #tpu.memory_space<vmem>>[vector<16xi32>, vector<16xi32>], vector<16xf32>,
        %broadcast_in_dim3A_304 = arith.constant 11 : i32
        %broadcast_in_dim3A_305 = vector.broadcast %broadcast_in_dim3A_304 : i32 to vector<16xi32>
        tpu.vector_store_idx %arg8[%add3A_94, %broadcast_in_dim3A_305], %get3A_246 : memref<832x65xf32, #tpu.memory_space<vmem>>[vector<16xi32>, vector<16xi32>], vector<16xf32>,
        %broadcast_in_dim3A_306 = arith.constant 11 : i32
        %broadcast_in_dim3A_307 = vector.broadcast %broadcast_in_dim3A_306 : i32 to vector<16xi32>
        tpu.vector_store_idx %arg8[%add3A_100, %broadcast_in_dim3A_307], %get3A_251 : memref<832x65xf32, #tpu.memory_space<vmem>>[vector<16xi32>, vector<16xi32>], vector<16xf32>,
        %broadcast_in_dim3A_308 = arith.constant 12 : i32
        %broadcast_in_dim3A_309 = vector.broadcast %broadcast_in_dim3A_308 : i32 to vector<16xi32>
        tpu.vector_store_idx %arg8[%add3A_94, %broadcast_in_dim3A_309], %get3A_256 : memref<832x65xf32, #tpu.memory_space<vmem>>[vector<16xi32>, vector<16xi32>], vector<16xf32>,
        %broadcast_in_dim3A_310 = arith.constant 12 : i32
        %broadcast_in_dim3A_311 = vector.broadcast %broadcast_in_dim3A_310 : i32 to vector<16xi32>
        tpu.vector_store_idx %arg8[%add3A_100, %broadcast_in_dim3A_311], %get3A_261 : memref<832x65xf32, #tpu.memory_space<vmem>>[vector<16xi32>, vector<16xi32>], vector<16xf32>,
        %broadcast_in_dim3A_312 = arith.constant 13 : i32
        %broadcast_in_dim3A_313 = vector.broadcast %broadcast_in_dim3A_312 : i32 to vector<16xi32>
        tpu.vector_store_idx %arg8[%add3A_94, %broadcast_in_dim3A_313], %get3A_266 : memref<832x65xf32, #tpu.memory_space<vmem>>[vector<16xi32>, vector<16xi32>], vector<16xf32>,
        %broadcast_in_dim3A_314 = arith.constant 13 : i32
        %broadcast_in_dim3A_315 = vector.broadcast %broadcast_in_dim3A_314 : i32 to vector<16xi32>
        tpu.vector_store_idx %arg8[%add3A_100, %broadcast_in_dim3A_315], %get3A_271 : memref<832x65xf32, #tpu.memory_space<vmem>>[vector<16xi32>, vector<16xi32>], vector<16xf32>,
        %broadcast_in_dim3A_316 = arith.constant 14 : i32
        %broadcast_in_dim3A_317 = vector.broadcast %broadcast_in_dim3A_316 : i32 to vector<16xi32>
        tpu.vector_store_idx %arg8[%add3A_94, %broadcast_in_dim3A_317], %get3A_276 : memref<832x65xf32, #tpu.memory_space<vmem>>[vector<16xi32>, vector<16xi32>], vector<16xf32>,
        %broadcast_in_dim3A_318 = arith.constant 14 : i32
        %broadcast_in_dim3A_319 = vector.broadcast %broadcast_in_dim3A_318 : i32 to vector<16xi32>
        tpu.vector_store_idx %arg8[%add3A_100, %broadcast_in_dim3A_319], %get3A_281 : memref<832x65xf32, #tpu.memory_space<vmem>>[vector<16xi32>, vector<16xi32>], vector<16xf32>,
        %broadcast_in_dim3A_320 = arith.constant 15 : i32
        %broadcast_in_dim3A_321 = vector.broadcast %broadcast_in_dim3A_320 : i32 to vector<16xi32>
        tpu.vector_store_idx %arg8[%add3A_94, %broadcast_in_dim3A_321], %get3A_286 : memref<832x65xf32, #tpu.memory_space<vmem>>[vector<16xi32>, vector<16xi32>], vector<16xf32>,
        %broadcast_in_dim3A_322 = arith.constant 15 : i32
        %broadcast_in_dim3A_323 = vector.broadcast %broadcast_in_dim3A_322 : i32 to vector<16xi32>
        tpu.vector_store_idx %arg8[%add3A_100, %broadcast_in_dim3A_323], %get3A_291 : memref<832x65xf32, #tpu.memory_space<vmem>>[vector<16xi32>, vector<16xi32>], vector<16xf32>,
        %add3A_324 = arith.constant 16 : i32
        %add3A_325 = arith.addi %mul3A_88, %add3A_324 : i32
        %get3A_326 = arith.index_cast %add3A_325 : i32 to index
        %get3A_327 = arith.constant 0 : index
        %get3A_328 = tpu.vector_load %arg7[%get3A_326, %get3A_327] {strides = array<i32>} : memref<1664x32xf32, #tpu.memory_space<vmem>>, vector<16xf32>,
        %add3A_329 = arith.constant 16 : i32
        %add3A_330 = arith.addi %mul3A_88, %add3A_329 : i32
        %get3A_331 = arith.index_cast %add3A_330 : i32 to index
        %get3A_332 = arith.constant 16 : index
        %get3A_333 = tpu.vector_load %arg7[%get3A_331, %get3A_332] {strides = array<i32>} : memref<1664x32xf32, #tpu.memory_space<vmem>>, vector<16xf32>,
        %add3A_334 = arith.constant 17 : i32
        %add3A_335 = arith.addi %mul3A_88, %add3A_334 : i32
        %get3A_336 = arith.index_cast %add3A_335 : i32 to index
        %get3A_337 = arith.constant 0 : index
        %get3A_338 = tpu.vector_load %arg7[%get3A_336, %get3A_337] {strides = array<i32>} : memref<1664x32xf32, #tpu.memory_space<vmem>>, vector<16xf32>,
        %add3A_339 = arith.constant 17 : i32
        %add3A_340 = arith.addi %mul3A_88, %add3A_339 : i32
        %get3A_341 = arith.index_cast %add3A_340 : i32 to index
        %get3A_342 = arith.constant 16 : index
        %get3A_343 = tpu.vector_load %arg7[%get3A_341, %get3A_342] {strides = array<i32>} : memref<1664x32xf32, #tpu.memory_space<vmem>>, vector<16xf32>,
        %add3A_344 = arith.constant 18 : i32
        %add3A_345 = arith.addi %mul3A_88, %add3A_344 : i32
        %get3A_346 = arith.index_cast %add3A_345 : i32 to index
        %get3A_347 = arith.constant 0 : index
        %get3A_348 = tpu.vector_load %arg7[%get3A_346, %get3A_347] {strides = array<i32>} : memref<1664x32xf32, #tpu.memory_space<vmem>>, vector<16xf32>,
        %add3A_349 = arith.constant 18 : i32
        %add3A_350 = arith.addi %mul3A_88, %add3A_349 : i32
        %get3A_351 = arith.index_cast %add3A_350 : i32 to index
        %get3A_352 = arith.constant 16 : index
        %get3A_353 = tpu.vector_load %arg7[%get3A_351, %get3A_352] {strides = array<i32>} : memref<1664x32xf32, #tpu.memory_space<vmem>>, vector<16xf32>,
        %add3A_354 = arith.constant 19 : i32
        %add3A_355 = arith.addi %mul3A_88, %add3A_354 : i32
        %get3A_356 = arith.index_cast %add3A_355 : i32 to index
        %get3A_357 = arith.constant 0 : index
        %get3A_358 = tpu.vector_load %arg7[%get3A_356, %get3A_357] {strides = array<i32>} : memref<1664x32xf32, #tpu.memory_space<vmem>>, vector<16xf32>,
        %add3A_359 = arith.constant 19 : i32
        %add3A_360 = arith.addi %mul3A_88, %add3A_359 : i32
        %get3A_361 = arith.index_cast %add3A_360 : i32 to index
        %get3A_362 = arith.constant 16 : index
        %get3A_363 = tpu.vector_load %arg7[%get3A_361, %get3A_362] {strides = array<i32>} : memref<1664x32xf32, #tpu.memory_space<vmem>>, vector<16xf32>,
        %add3A_364 = arith.constant 20 : i32
        %add3A_365 = arith.addi %mul3A_88, %add3A_364 : i32
        %get3A_366 = arith.index_cast %add3A_365 : i32 to index
        %get3A_367 = arith.constant 0 : index
        %get3A_368 = tpu.vector_load %arg7[%get3A_366, %get3A_367] {strides = array<i32>} : memref<1664x32xf32, #tpu.memory_space<vmem>>, vector<16xf32>,
        %add3A_369 = arith.constant 20 : i32
        %add3A_370 = arith.addi %mul3A_88, %add3A_369 : i32
        %get3A_371 = arith.index_cast %add3A_370 : i32 to index
        %get3A_372 = arith.constant 16 : index
        %get3A_373 = tpu.vector_load %arg7[%get3A_371, %get3A_372] {strides = array<i32>} : memref<1664x32xf32, #tpu.memory_space<vmem>>, vector<16xf32>,
        %add3A_374 = arith.constant 21 : i32
        %add3A_375 = arith.addi %mul3A_88, %add3A_374 : i32
        %get3A_376 = arith.index_cast %add3A_375 : i32 to index
        %get3A_377 = arith.constant 0 : index
        %get3A_378 = tpu.vector_load %arg7[%get3A_376, %get3A_377] {strides = array<i32>} : memref<1664x32xf32, #tpu.memory_space<vmem>>, vector<16xf32>,
        %add3A_379 = arith.constant 21 : i32
        %add3A_380 = arith.addi %mul3A_88, %add3A_379 : i32
        %get3A_381 = arith.index_cast %add3A_380 : i32 to index
        %get3A_382 = arith.constant 16 : index
        %get3A_383 = tpu.vector_load %arg7[%get3A_381, %get3A_382] {strides = array<i32>} : memref<1664x32xf32, #tpu.memory_space<vmem>>, vector<16xf32>,
        %add3A_384 = arith.constant 22 : i32
        %add3A_385 = arith.addi %mul3A_88, %add3A_384 : i32
        %get3A_386 = arith.index_cast %add3A_385 : i32 to index
        %get3A_387 = arith.constant 0 : index
        %get3A_388 = tpu.vector_load %arg7[%get3A_386, %get3A_387] {strides = array<i32>} : memref<1664x32xf32, #tpu.memory_space<vmem>>, vector<16xf32>,
        %add3A_389 = arith.constant 22 : i32
        %add3A_390 = arith.addi %mul3A_88, %add3A_389 : i32
        %get3A_391 = arith.index_cast %add3A_390 : i32 to index
        %get3A_392 = arith.constant 16 : index
        %get3A_393 = tpu.vector_load %arg7[%get3A_391, %get3A_392] {strides = array<i32>} : memref<1664x32xf32, #tpu.memory_space<vmem>>, vector<16xf32>,
        %add3A_394 = arith.constant 23 : i32
        %add3A_395 = arith.addi %mul3A_88, %add3A_394 : i32
        %get3A_396 = arith.index_cast %add3A_395 : i32 to index
        %get3A_397 = arith.constant 0 : index
        %get3A_398 = tpu.vector_load %arg7[%get3A_396, %get3A_397] {strides = array<i32>} : memref<1664x32xf32, #tpu.memory_space<vmem>>, vector<16xf32>,
        %add3A_399 = arith.constant 23 : i32
        %add3A_400 = arith.addi %mul3A_88, %add3A_399 : i32
        %get3A_401 = arith.index_cast %add3A_400 : i32 to index
        %get3A_402 = arith.constant 16 : index
        %get3A_403 = tpu.vector_load %arg7[%get3A_401, %get3A_402] {strides = array<i32>} : memref<1664x32xf32, #tpu.memory_space<vmem>>, vector<16xf32>,
        %broadcast_in_dim3A_404 = arith.constant 16 : i32
        %broadcast_in_dim3A_405 = vector.broadcast %broadcast_in_dim3A_404 : i32 to vector<16xi32>
        tpu.vector_store_idx %arg8[%add3A_94, %broadcast_in_dim3A_405], %get3A_328 : memref<832x65xf32, #tpu.memory_space<vmem>>[vector<16xi32>, vector<16xi32>], vector<16xf32>,
        %broadcast_in_dim3A_406 = arith.constant 16 : i32
        %broadcast_in_dim3A_407 = vector.broadcast %broadcast_in_dim3A_406 : i32 to vector<16xi32>
        tpu.vector_store_idx %arg8[%add3A_100, %broadcast_in_dim3A_407], %get3A_333 : memref<832x65xf32, #tpu.memory_space<vmem>>[vector<16xi32>, vector<16xi32>], vector<16xf32>,
        %broadcast_in_dim3A_408 = arith.constant 17 : i32
        %broadcast_in_dim3A_409 = vector.broadcast %broadcast_in_dim3A_408 : i32 to vector<16xi32>
        tpu.vector_store_idx %arg8[%add3A_94, %broadcast_in_dim3A_409], %get3A_338 : memref<832x65xf32, #tpu.memory_space<vmem>>[vector<16xi32>, vector<16xi32>], vector<16xf32>,
        %broadcast_in_dim3A_410 = arith.constant 17 : i32
        %broadcast_in_dim3A_411 = vector.broadcast %broadcast_in_dim3A_410 : i32 to vector<16xi32>
        tpu.vector_store_idx %arg8[%add3A_100, %broadcast_in_dim3A_411], %get3A_343 : memref<832x65xf32, #tpu.memory_space<vmem>>[vector<16xi32>, vector<16xi32>], vector<16xf32>,
        %broadcast_in_dim3A_412 = arith.constant 18 : i32
        %broadcast_in_dim3A_413 = vector.broadcast %broadcast_in_dim3A_412 : i32 to vector<16xi32>
        tpu.vector_store_idx %arg8[%add3A_94, %broadcast_in_dim3A_413], %get3A_348 : memref<832x65xf32, #tpu.memory_space<vmem>>[vector<16xi32>, vector<16xi32>], vector<16xf32>,
        %broadcast_in_dim3A_414 = arith.constant 18 : i32
        %broadcast_in_dim3A_415 = vector.broadcast %broadcast_in_dim3A_414 : i32 to vector<16xi32>
        tpu.vector_store_idx %arg8[%add3A_100, %broadcast_in_dim3A_415], %get3A_353 : memref<832x65xf32, #tpu.memory_space<vmem>>[vector<16xi32>, vector<16xi32>], vector<16xf32>,
        %broadcast_in_dim3A_416 = arith.constant 19 : i32
        %broadcast_in_dim3A_417 = vector.broadcast %broadcast_in_dim3A_416 : i32 to vector<16xi32>
        tpu.vector_store_idx %arg8[%add3A_94, %broadcast_in_dim3A_417], %get3A_358 : memref<832x65xf32, #tpu.memory_space<vmem>>[vector<16xi32>, vector<16xi32>], vector<16xf32>,
        %broadcast_in_dim3A_418 = arith.constant 19 : i32
        %broadcast_in_dim3A_419 = vector.broadcast %broadcast_in_dim3A_418 : i32 to vector<16xi32>
        tpu.vector_store_idx %arg8[%add3A_100, %broadcast_in_dim3A_419], %get3A_363 : memref<832x65xf32, #tpu.memory_space<vmem>>[vector<16xi32>, vector<16xi32>], vector<16xf32>,
        %broadcast_in_dim3A_420 = arith.constant 20 : i32
        %broadcast_in_dim3A_421 = vector.broadcast %broadcast_in_dim3A_420 : i32 to vector<16xi32>
        tpu.vector_store_idx %arg8[%add3A_94, %broadcast_in_dim3A_421], %get3A_368 : memref<832x65xf32, #tpu.memory_space<vmem>>[vector<16xi32>, vector<16xi32>], vector<16xf32>,
        %broadcast_in_dim3A_422 = arith.constant 20 : i32
        %broadcast_in_dim3A_423 = vector.broadcast %broadcast_in_dim3A_422 : i32 to vector<16xi32>
        tpu.vector_store_idx %arg8[%add3A_100, %broadcast_in_dim3A_423], %get3A_373 : memref<832x65xf32, #tpu.memory_space<vmem>>[vector<16xi32>, vector<16xi32>], vector<16xf32>,
        %broadcast_in_dim3A_424 = arith.constant 21 : i32
        %broadcast_in_dim3A_425 = vector.broadcast %broadcast_in_dim3A_424 : i32 to vector<16xi32>
        tpu.vector_store_idx %arg8[%add3A_94, %broadcast_in_dim3A_425], %get3A_378 : memref<832x65xf32, #tpu.memory_space<vmem>>[vector<16xi32>, vector<16xi32>], vector<16xf32>,
        %broadcast_in_dim3A_426 = arith.constant 21 : i32
        %broadcast_in_dim3A_427 = vector.broadcast %broadcast_in_dim3A_426 : i32 to vector<16xi32>
        tpu.vector_store_idx %arg8[%add3A_100, %broadcast_in_dim3A_427], %get3A_383 : memref<832x65xf32, #tpu.memory_space<vmem>>[vector<16xi32>, vector<16xi32>], vector<16xf32>,
        %broadcast_in_dim3A_428 = arith.constant 22 : i32
        %broadcast_in_dim3A_429 = vector.broadcast %broadcast_in_dim3A_428 : i32 to vector<16xi32>
        tpu.vector_store_idx %arg8[%add3A_94, %broadcast_in_dim3A_429], %get3A_388 : memref<832x65xf32, #tpu.memory_space<vmem>>[vector<16xi32>, vector<16xi32>], vector<16xf32>,
        %broadcast_in_dim3A_430 = arith.constant 22 : i32
        %broadcast_in_dim3A_431 = vector.broadcast %broadcast_in_dim3A_430 : i32 to vector<16xi32>
        tpu.vector_store_idx %arg8[%add3A_100, %broadcast_in_dim3A_431], %get3A_393 : memref<832x65xf32, #tpu.memory_space<vmem>>[vector<16xi32>, vector<16xi32>], vector<16xf32>,
        %broadcast_in_dim3A_432 = arith.constant 23 : i32
        %broadcast_in_dim3A_433 = vector.broadcast %broadcast_in_dim3A_432 : i32 to vector<16xi32>
        tpu.vector_store_idx %arg8[%add3A_94, %broadcast_in_dim3A_433], %get3A_398 : memref<832x65xf32, #tpu.memory_space<vmem>>[vector<16xi32>, vector<16xi32>], vector<16xf32>,
        %broadcast_in_dim3A_434 = arith.constant 23 : i32
        %broadcast_in_dim3A_435 = vector.broadcast %broadcast_in_dim3A_434 : i32 to vector<16xi32>
        tpu.vector_store_idx %arg8[%add3A_100, %broadcast_in_dim3A_435], %get3A_403 : memref<832x65xf32, #tpu.memory_space<vmem>>[vector<16xi32>, vector<16xi32>], vector<16xf32>,
        %add3A_436 = arith.constant 24 : i32
        %add3A_437 = arith.addi %mul3A_88, %add3A_436 : i32
        %get3A_438 = arith.index_cast %add3A_437 : i32 to index
        %get3A_439 = arith.constant 0 : index
        %get3A_440 = tpu.vector_load %arg7[%get3A_438, %get3A_439] {strides = array<i32>} : memref<1664x32xf32, #tpu.memory_space<vmem>>, vector<16xf32>,
        %add3A_441 = arith.constant 24 : i32
        %add3A_442 = arith.addi %mul3A_88, %add3A_441 : i32
        %get3A_443 = arith.index_cast %add3A_442 : i32 to index
        %get3A_444 = arith.constant 16 : index
        %get3A_445 = tpu.vector_load %arg7[%get3A_443, %get3A_444] {strides = array<i32>} : memref<1664x32xf32, #tpu.memory_space<vmem>>, vector<16xf32>,
        %add3A_446 = arith.constant 25 : i32
        %add3A_447 = arith.addi %mul3A_88, %add3A_446 : i32
        %get3A_448 = arith.index_cast %add3A_447 : i32 to index
        %get3A_449 = arith.constant 0 : index
        %get3A_450 = tpu.vector_load %arg7[%get3A_448, %get3A_449] {strides = array<i32>} : memref<1664x32xf32, #tpu.memory_space<vmem>>, vector<16xf32>,
        %add3A_451 = arith.constant 25 : i32
        %add3A_452 = arith.addi %mul3A_88, %add3A_451 : i32
        %get3A_453 = arith.index_cast %add3A_452 : i32 to index
        %get3A_454 = arith.constant 16 : index
        %get3A_455 = tpu.vector_load %arg7[%get3A_453, %get3A_454] {strides = array<i32>} : memref<1664x32xf32, #tpu.memory_space<vmem>>, vector<16xf32>,
        %add3A_456 = arith.constant 26 : i32
        %add3A_457 = arith.addi %mul3A_88, %add3A_456 : i32
        %get3A_458 = arith.index_cast %add3A_457 : i32 to index
        %get3A_459 = arith.constant 0 : index
        %get3A_460 = tpu.vector_load %arg7[%get3A_458, %get3A_459] {strides = array<i32>} : memref<1664x32xf32, #tpu.memory_space<vmem>>, vector<16xf32>,
        %add3A_461 = arith.constant 26 : i32
        %add3A_462 = arith.addi %mul3A_88, %add3A_461 : i32
        %get3A_463 = arith.index_cast %add3A_462 : i32 to index
        %get3A_464 = arith.constant 16 : index
        %get3A_465 = tpu.vector_load %arg7[%get3A_463, %get3A_464] {strides = array<i32>} : memref<1664x32xf32, #tpu.memory_space<vmem>>, vector<16xf32>,
        %add3A_466 = arith.constant 27 : i32
        %add3A_467 = arith.addi %mul3A_88, %add3A_466 : i32
        %get3A_468 = arith.index_cast %add3A_467 : i32 to index
        %get3A_469 = arith.constant 0 : index
        %get3A_470 = tpu.vector_load %arg7[%get3A_468, %get3A_469] {strides = array<i32>} : memref<1664x32xf32, #tpu.memory_space<vmem>>, vector<16xf32>,
        %add3A_471 = arith.constant 27 : i32
        %add3A_472 = arith.addi %mul3A_88, %add3A_471 : i32
        %get3A_473 = arith.index_cast %add3A_472 : i32 to index
        %get3A_474 = arith.constant 16 : index
        %get3A_475 = tpu.vector_load %arg7[%get3A_473, %get3A_474] {strides = array<i32>} : memref<1664x32xf32, #tpu.memory_space<vmem>>, vector<16xf32>,
        %add3A_476 = arith.constant 28 : i32
        %add3A_477 = arith.addi %mul3A_88, %add3A_476 : i32
        %get3A_478 = arith.index_cast %add3A_477 : i32 to index
        %get3A_479 = arith.constant 0 : index
        %get3A_480 = tpu.vector_load %arg7[%get3A_478, %get3A_479] {strides = array<i32>} : memref<1664x32xf32, #tpu.memory_space<vmem>>, vector<16xf32>,
        %add3A_481 = arith.constant 28 : i32
        %add3A_482 = arith.addi %mul3A_88, %add3A_481 : i32
        %get3A_483 = arith.index_cast %add3A_482 : i32 to index
        %get3A_484 = arith.constant 16 : index
        %get3A_485 = tpu.vector_load %arg7[%get3A_483, %get3A_484] {strides = array<i32>} : memref<1664x32xf32, #tpu.memory_space<vmem>>, vector<16xf32>,
        %add3A_486 = arith.constant 29 : i32
        %add3A_487 = arith.addi %mul3A_88, %add3A_486 : i32
        %get3A_488 = arith.index_cast %add3A_487 : i32 to index
        %get3A_489 = arith.constant 0 : index
        %get3A_490 = tpu.vector_load %arg7[%get3A_488, %get3A_489] {strides = array<i32>} : memref<1664x32xf32, #tpu.memory_space<vmem>>, vector<16xf32>,
        %add3A_491 = arith.constant 29 : i32
        %add3A_492 = arith.addi %mul3A_88, %add3A_491 : i32
        %get3A_493 = arith.index_cast %add3A_492 : i32 to index
        %get3A_494 = arith.constant 16 : index
        %get3A_495 = tpu.vector_load %arg7[%get3A_493, %get3A_494] {strides = array<i32>} : memref<1664x32xf32, #tpu.memory_space<vmem>>, vector<16xf32>,
        %add3A_496 = arith.constant 30 : i32
        %add3A_497 = arith.addi %mul3A_88, %add3A_496 : i32
        %get3A_498 = arith.index_cast %add3A_497 : i32 to index
        %get3A_499 = arith.constant 0 : index
        %get3A_500 = tpu.vector_load %arg7[%get3A_498, %get3A_499] {strides = array<i32>} : memref<1664x32xf32, #tpu.memory_space<vmem>>, vector<16xf32>,
        %add3A_501 = arith.constant 30 : i32
        %add3A_502 = arith.addi %mul3A_88, %add3A_501 : i32
        %get3A_503 = arith.index_cast %add3A_502 : i32 to index
        %get3A_504 = arith.constant 16 : index
        %get3A_505 = tpu.vector_load %arg7[%get3A_503, %get3A_504] {strides = array<i32>} : memref<1664x32xf32, #tpu.memory_space<vmem>>, vector<16xf32>,
        %add3A_506 = arith.constant 31 : i32
        %add3A_507 = arith.addi %mul3A_88, %add3A_506 : i32
        %get3A_508 = arith.index_cast %add3A_507 : i32 to index
        %get3A_509 = arith.constant 0 : index
        %get3A_510 = tpu.vector_load %arg7[%get3A_508, %get3A_509] {strides = array<i32>} : memref<1664x32xf32, #tpu.memory_space<vmem>>, vector<16xf32>,
        %add3A_511 = arith.constant 31 : i32
        %add3A_512 = arith.addi %mul3A_88, %add3A_511 : i32
        %get3A_513 = arith.index_cast %add3A_512 : i32 to index
        %get3A_514 = arith.constant 16 : index
        %get3A_515 = tpu.vector_load %arg7[%get3A_513, %get3A_514] {strides = array<i32>} : memref<1664x32xf32, #tpu.memory_space<vmem>>, vector<16xf32>,
        %broadcast_in_dim3A_516 = arith.constant 24 : i32
        %broadcast_in_dim3A_517 = vector.broadcast %broadcast_in_dim3A_516 : i32 to vector<16xi32>
        tpu.vector_store_idx %arg8[%add3A_94, %broadcast_in_dim3A_517], %get3A_440 : memref<832x65xf32, #tpu.memory_space<vmem>>[vector<16xi32>, vector<16xi32>], vector<16xf32>,
        %broadcast_in_dim3A_518 = arith.constant 24 : i32
        %broadcast_in_dim3A_519 = vector.broadcast %broadcast_in_dim3A_518 : i32 to vector<16xi32>
        tpu.vector_store_idx %arg8[%add3A_100, %broadcast_in_dim3A_519], %get3A_445 : memref<832x65xf32, #tpu.memory_space<vmem>>[vector<16xi32>, vector<16xi32>], vector<16xf32>,
        %broadcast_in_dim3A_520 = arith.constant 25 : i32
        %broadcast_in_dim3A_521 = vector.broadcast %broadcast_in_dim3A_520 : i32 to vector<16xi32>
        tpu.vector_store_idx %arg8[%add3A_94, %broadcast_in_dim3A_521], %get3A_450 : memref<832x65xf32, #tpu.memory_space<vmem>>[vector<16xi32>, vector<16xi32>], vector<16xf32>,
        %broadcast_in_dim3A_522 = arith.constant 25 : i32
        %broadcast_in_dim3A_523 = vector.broadcast %broadcast_in_dim3A_522 : i32 to vector<16xi32>
        tpu.vector_store_idx %arg8[%add3A_100, %broadcast_in_dim3A_523], %get3A_455 : memref<832x65xf32, #tpu.memory_space<vmem>>[vector<16xi32>, vector<16xi32>], vector<16xf32>,
        %broadcast_in_dim3A_524 = arith.constant 26 : i32
        %broadcast_in_dim3A_525 = vector.broadcast %broadcast_in_dim3A_524 : i32 to vector<16xi32>
        tpu.vector_store_idx %arg8[%add3A_94, %broadcast_in_dim3A_525], %get3A_460 : memref<832x65xf32, #tpu.memory_space<vmem>>[vector<16xi32>, vector<16xi32>], vector<16xf32>,
        %broadcast_in_dim3A_526 = arith.constant 26 : i32
        %broadcast_in_dim3A_527 = vector.broadcast %broadcast_in_dim3A_526 : i32 to vector<16xi32>
        tpu.vector_store_idx %arg8[%add3A_100, %broadcast_in_dim3A_527], %get3A_465 : memref<832x65xf32, #tpu.memory_space<vmem>>[vector<16xi32>, vector<16xi32>], vector<16xf32>,
        %broadcast_in_dim3A_528 = arith.constant 27 : i32
        %broadcast_in_dim3A_529 = vector.broadcast %broadcast_in_dim3A_528 : i32 to vector<16xi32>
        tpu.vector_store_idx %arg8[%add3A_94, %broadcast_in_dim3A_529], %get3A_470 : memref<832x65xf32, #tpu.memory_space<vmem>>[vector<16xi32>, vector<16xi32>], vector<16xf32>,
        %broadcast_in_dim3A_530 = arith.constant 27 : i32
        %broadcast_in_dim3A_531 = vector.broadcast %broadcast_in_dim3A_530 : i32 to vector<16xi32>
        tpu.vector_store_idx %arg8[%add3A_100, %broadcast_in_dim3A_531], %get3A_475 : memref<832x65xf32, #tpu.memory_space<vmem>>[vector<16xi32>, vector<16xi32>], vector<16xf32>,
        %broadcast_in_dim3A_532 = arith.constant 28 : i32
        %broadcast_in_dim3A_533 = vector.broadcast %broadcast_in_dim3A_532 : i32 to vector<16xi32>
        tpu.vector_store_idx %arg8[%add3A_94, %broadcast_in_dim3A_533], %get3A_480 : memref<832x65xf32, #tpu.memory_space<vmem>>[vector<16xi32>, vector<16xi32>], vector<16xf32>,
        %broadcast_in_dim3A_534 = arith.constant 28 : i32
        %broadcast_in_dim3A_535 = vector.broadcast %broadcast_in_dim3A_534 : i32 to vector<16xi32>
        tpu.vector_store_idx %arg8[%add3A_100, %broadcast_in_dim3A_535], %get3A_485 : memref<832x65xf32, #tpu.memory_space<vmem>>[vector<16xi32>, vector<16xi32>], vector<16xf32>,
        %broadcast_in_dim3A_536 = arith.constant 29 : i32
        %broadcast_in_dim3A_537 = vector.broadcast %broadcast_in_dim3A_536 : i32 to vector<16xi32>
        tpu.vector_store_idx %arg8[%add3A_94, %broadcast_in_dim3A_537], %get3A_490 : memref<832x65xf32, #tpu.memory_space<vmem>>[vector<16xi32>, vector<16xi32>], vector<16xf32>,
        %broadcast_in_dim3A_538 = arith.constant 29 : i32
        %broadcast_in_dim3A_539 = vector.broadcast %broadcast_in_dim3A_538 : i32 to vector<16xi32>
        tpu.vector_store_idx %arg8[%add3A_100, %broadcast_in_dim3A_539], %get3A_495 : memref<832x65xf32, #tpu.memory_space<vmem>>[vector<16xi32>, vector<16xi32>], vector<16xf32>,
        %broadcast_in_dim3A_540 = arith.constant 30 : i32
        %broadcast_in_dim3A_541 = vector.broadcast %broadcast_in_dim3A_540 : i32 to vector<16xi32>
        tpu.vector_store_idx %arg8[%add3A_94, %broadcast_in_dim3A_541], %get3A_500 : memref<832x65xf32, #tpu.memory_space<vmem>>[vector<16xi32>, vector<16xi32>], vector<16xf32>,
        %broadcast_in_dim3A_542 = arith.constant 30 : i32
        %broadcast_in_dim3A_543 = vector.broadcast %broadcast_in_dim3A_542 : i32 to vector<16xi32>
        tpu.vector_store_idx %arg8[%add3A_100, %broadcast_in_dim3A_543], %get3A_505 : memref<832x65xf32, #tpu.memory_space<vmem>>[vector<16xi32>, vector<16xi32>], vector<16xf32>,
        %broadcast_in_dim3A_544 = arith.constant 31 : i32
        %broadcast_in_dim3A_545 = vector.broadcast %broadcast_in_dim3A_544 : i32 to vector<16xi32>
        tpu.vector_store_idx %arg8[%add3A_94, %broadcast_in_dim3A_545], %get3A_510 : memref<832x65xf32, #tpu.memory_space<vmem>>[vector<16xi32>, vector<16xi32>], vector<16xf32>,
        %broadcast_in_dim3A_546 = arith.constant 31 : i32
        %broadcast_in_dim3A_547 = vector.broadcast %broadcast_in_dim3A_546 : i32 to vector<16xi32>
        tpu.vector_store_idx %arg8[%add3A_100, %broadcast_in_dim3A_547], %get3A_515 : memref<832x65xf32, #tpu.memory_space<vmem>>[vector<16xi32>, vector<16xi32>], vector<16xf32>,
        %add3A_548 = arith.constant 32 : i32
        %add3A_549 = arith.addi %mul3A_88, %add3A_548 : i32
        %get3A_550 = arith.index_cast %add3A_549 : i32 to index
        %get3A_551 = arith.constant 0 : index
        %get3A_552 = tpu.vector_load %arg7[%get3A_550, %get3A_551] {strides = array<i32>} : memref<1664x32xf32, #tpu.memory_space<vmem>>, vector<16xf32>,
        %add3A_553 = arith.constant 32 : i32
        %add3A_554 = arith.addi %mul3A_88, %add3A_553 : i32
        %get3A_555 = arith.index_cast %add3A_554 : i32 to index
        %get3A_556 = arith.constant 16 : index
        %get3A_557 = tpu.vector_load %arg7[%get3A_555, %get3A_556] {strides = array<i32>} : memref<1664x32xf32, #tpu.memory_space<vmem>>, vector<16xf32>,
        %add3A_558 = arith.constant 33 : i32
        %add3A_559 = arith.addi %mul3A_88, %add3A_558 : i32
        %get3A_560 = arith.index_cast %add3A_559 : i32 to index
        %get3A_561 = arith.constant 0 : index
        %get3A_562 = tpu.vector_load %arg7[%get3A_560, %get3A_561] {strides = array<i32>} : memref<1664x32xf32, #tpu.memory_space<vmem>>, vector<16xf32>,
        %add3A_563 = arith.constant 33 : i32
        %add3A_564 = arith.addi %mul3A_88, %add3A_563 : i32
        %get3A_565 = arith.index_cast %add3A_564 : i32 to index
        %get3A_566 = arith.constant 16 : index
        %get3A_567 = tpu.vector_load %arg7[%get3A_565, %get3A_566] {strides = array<i32>} : memref<1664x32xf32, #tpu.memory_space<vmem>>, vector<16xf32>,
        %add3A_568 = arith.constant 34 : i32
        %add3A_569 = arith.addi %mul3A_88, %add3A_568 : i32
        %get3A_570 = arith.index_cast %add3A_569 : i32 to index
        %get3A_571 = arith.constant 0 : index
        %get3A_572 = tpu.vector_load %arg7[%get3A_570, %get3A_571] {strides = array<i32>} : memref<1664x32xf32, #tpu.memory_space<vmem>>, vector<16xf32>,
        %add3A_573 = arith.constant 34 : i32
        %add3A_574 = arith.addi %mul3A_88, %add3A_573 : i32
        %get3A_575 = arith.index_cast %add3A_574 : i32 to index
        %get3A_576 = arith.constant 16 : index
        %get3A_577 = tpu.vector_load %arg7[%get3A_575, %get3A_576] {strides = array<i32>} : memref<1664x32xf32, #tpu.memory_space<vmem>>, vector<16xf32>,
        %add3A_578 = arith.constant 35 : i32
        %add3A_579 = arith.addi %mul3A_88, %add3A_578 : i32
        %get3A_580 = arith.index_cast %add3A_579 : i32 to index
        %get3A_581 = arith.constant 0 : index
        %get3A_582 = tpu.vector_load %arg7[%get3A_580, %get3A_581] {strides = array<i32>} : memref<1664x32xf32, #tpu.memory_space<vmem>>, vector<16xf32>,
        %add3A_583 = arith.constant 35 : i32
        %add3A_584 = arith.addi %mul3A_88, %add3A_583 : i32
        %get3A_585 = arith.index_cast %add3A_584 : i32 to index
        %get3A_586 = arith.constant 16 : index
        %get3A_587 = tpu.vector_load %arg7[%get3A_585, %get3A_586] {strides = array<i32>} : memref<1664x32xf32, #tpu.memory_space<vmem>>, vector<16xf32>,
        %add3A_588 = arith.constant 36 : i32
        %add3A_589 = arith.addi %mul3A_88, %add3A_588 : i32
        %get3A_590 = arith.index_cast %add3A_589 : i32 to index
        %get3A_591 = arith.constant 0 : index
        %get3A_592 = tpu.vector_load %arg7[%get3A_590, %get3A_591] {strides = array<i32>} : memref<1664x32xf32, #tpu.memory_space<vmem>>, vector<16xf32>,
        %add3A_593 = arith.constant 36 : i32
        %add3A_594 = arith.addi %mul3A_88, %add3A_593 : i32
        %get3A_595 = arith.index_cast %add3A_594 : i32 to index
        %get3A_596 = arith.constant 16 : index
        %get3A_597 = tpu.vector_load %arg7[%get3A_595, %get3A_596] {strides = array<i32>} : memref<1664x32xf32, #tpu.memory_space<vmem>>, vector<16xf32>,
        %add3A_598 = arith.constant 37 : i32
        %add3A_599 = arith.addi %mul3A_88, %add3A_598 : i32
        %get3A_600 = arith.index_cast %add3A_599 : i32 to index
        %get3A_601 = arith.constant 0 : index
        %get3A_602 = tpu.vector_load %arg7[%get3A_600, %get3A_601] {strides = array<i32>} : memref<1664x32xf32, #tpu.memory_space<vmem>>, vector<16xf32>,
        %add3A_603 = arith.constant 37 : i32
        %add3A_604 = arith.addi %mul3A_88, %add3A_603 : i32
        %get3A_605 = arith.index_cast %add3A_604 : i32 to index
        %get3A_606 = arith.constant 16 : index
        %get3A_607 = tpu.vector_load %arg7[%get3A_605, %get3A_606] {strides = array<i32>} : memref<1664x32xf32, #tpu.memory_space<vmem>>, vector<16xf32>,
        %add3A_608 = arith.constant 38 : i32
        %add3A_609 = arith.addi %mul3A_88, %add3A_608 : i32
        %get3A_610 = arith.index_cast %add3A_609 : i32 to index
        %get3A_611 = arith.constant 0 : index
        %get3A_612 = tpu.vector_load %arg7[%get3A_610, %get3A_611] {strides = array<i32>} : memref<1664x32xf32, #tpu.memory_space<vmem>>, vector<16xf32>,
        %add3A_613 = arith.constant 38 : i32
        %add3A_614 = arith.addi %mul3A_88, %add3A_613 : i32
        %get3A_615 = arith.index_cast %add3A_614 : i32 to index
        %get3A_616 = arith.constant 16 : index
        %get3A_617 = tpu.vector_load %arg7[%get3A_615, %get3A_616] {strides = array<i32>} : memref<1664x32xf32, #tpu.memory_space<vmem>>, vector<16xf32>,
        %add3A_618 = arith.constant 39 : i32
        %add3A_619 = arith.addi %mul3A_88, %add3A_618 : i32
        %get3A_620 = arith.index_cast %add3A_619 : i32 to index
        %get3A_621 = arith.constant 0 : index
        %get3A_622 = tpu.vector_load %arg7[%get3A_620, %get3A_621] {strides = array<i32>} : memref<1664x32xf32, #tpu.memory_space<vmem>>, vector<16xf32>,
        %add3A_623 = arith.constant 39 : i32
        %add3A_624 = arith.addi %mul3A_88, %add3A_623 : i32
        %get3A_625 = arith.index_cast %add3A_624 : i32 to index
        %get3A_626 = arith.constant 16 : index
        %get3A_627 = tpu.vector_load %arg7[%get3A_625, %get3A_626] {strides = array<i32>} : memref<1664x32xf32, #tpu.memory_space<vmem>>, vector<16xf32>,
        %broadcast_in_dim3A_628 = arith.constant 32 : i32
        %broadcast_in_dim3A_629 = vector.broadcast %broadcast_in_dim3A_628 : i32 to vector<16xi32>
        tpu.vector_store_idx %arg8[%add3A_94, %broadcast_in_dim3A_629], %get3A_552 : memref<832x65xf32, #tpu.memory_space<vmem>>[vector<16xi32>, vector<16xi32>], vector<16xf32>,
        %broadcast_in_dim3A_630 = arith.constant 32 : i32
        %broadcast_in_dim3A_631 = vector.broadcast %broadcast_in_dim3A_630 : i32 to vector<16xi32>
        tpu.vector_store_idx %arg8[%add3A_100, %broadcast_in_dim3A_631], %get3A_557 : memref<832x65xf32, #tpu.memory_space<vmem>>[vector<16xi32>, vector<16xi32>], vector<16xf32>,
        %broadcast_in_dim3A_632 = arith.constant 33 : i32
        %broadcast_in_dim3A_633 = vector.broadcast %broadcast_in_dim3A_632 : i32 to vector<16xi32>
        tpu.vector_store_idx %arg8[%add3A_94, %broadcast_in_dim3A_633], %get3A_562 : memref<832x65xf32, #tpu.memory_space<vmem>>[vector<16xi32>, vector<16xi32>], vector<16xf32>,
        %broadcast_in_dim3A_634 = arith.constant 33 : i32
        %broadcast_in_dim3A_635 = vector.broadcast %broadcast_in_dim3A_634 : i32 to vector<16xi32>
        tpu.vector_store_idx %arg8[%add3A_100, %broadcast_in_dim3A_635], %get3A_567 : memref<832x65xf32, #tpu.memory_space<vmem>>[vector<16xi32>, vector<16xi32>], vector<16xf32>,
        %broadcast_in_dim3A_636 = arith.constant 34 : i32
        %broadcast_in_dim3A_637 = vector.broadcast %broadcast_in_dim3A_636 : i32 to vector<16xi32>
        tpu.vector_store_idx %arg8[%add3A_94, %broadcast_in_dim3A_637], %get3A_572 : memref<832x65xf32, #tpu.memory_space<vmem>>[vector<16xi32>, vector<16xi32>], vector<16xf32>,
        %broadcast_in_dim3A_638 = arith.constant 34 : i32
        %broadcast_in_dim3A_639 = vector.broadcast %broadcast_in_dim3A_638 : i32 to vector<16xi32>
        tpu.vector_store_idx %arg8[%add3A_100, %broadcast_in_dim3A_639], %get3A_577 : memref<832x65xf32, #tpu.memory_space<vmem>>[vector<16xi32>, vector<16xi32>], vector<16xf32>,
        %broadcast_in_dim3A_640 = arith.constant 35 : i32
        %broadcast_in_dim3A_641 = vector.broadcast %broadcast_in_dim3A_640 : i32 to vector<16xi32>
        tpu.vector_store_idx %arg8[%add3A_94, %broadcast_in_dim3A_641], %get3A_582 : memref<832x65xf32, #tpu.memory_space<vmem>>[vector<16xi32>, vector<16xi32>], vector<16xf32>,
        %broadcast_in_dim3A_642 = arith.constant 35 : i32
        %broadcast_in_dim3A_643 = vector.broadcast %broadcast_in_dim3A_642 : i32 to vector<16xi32>
        tpu.vector_store_idx %arg8[%add3A_100, %broadcast_in_dim3A_643], %get3A_587 : memref<832x65xf32, #tpu.memory_space<vmem>>[vector<16xi32>, vector<16xi32>], vector<16xf32>,
        %broadcast_in_dim3A_644 = arith.constant 36 : i32
        %broadcast_in_dim3A_645 = vector.broadcast %broadcast_in_dim3A_644 : i32 to vector<16xi32>
        tpu.vector_store_idx %arg8[%add3A_94, %broadcast_in_dim3A_645], %get3A_592 : memref<832x65xf32, #tpu.memory_space<vmem>>[vector<16xi32>, vector<16xi32>], vector<16xf32>,
        %broadcast_in_dim3A_646 = arith.constant 36 : i32
        %broadcast_in_dim3A_647 = vector.broadcast %broadcast_in_dim3A_646 : i32 to vector<16xi32>
        tpu.vector_store_idx %arg8[%add3A_100, %broadcast_in_dim3A_647], %get3A_597 : memref<832x65xf32, #tpu.memory_space<vmem>>[vector<16xi32>, vector<16xi32>], vector<16xf32>,
        %broadcast_in_dim3A_648 = arith.constant 37 : i32
        %broadcast_in_dim3A_649 = vector.broadcast %broadcast_in_dim3A_648 : i32 to vector<16xi32>
        tpu.vector_store_idx %arg8[%add3A_94, %broadcast_in_dim3A_649], %get3A_602 : memref<832x65xf32, #tpu.memory_space<vmem>>[vector<16xi32>, vector<16xi32>], vector<16xf32>,
        %broadcast_in_dim3A_650 = arith.constant 37 : i32
        %broadcast_in_dim3A_651 = vector.broadcast %broadcast_in_dim3A_650 : i32 to vector<16xi32>
        tpu.vector_store_idx %arg8[%add3A_100, %broadcast_in_dim3A_651], %get3A_607 : memref<832x65xf32, #tpu.memory_space<vmem>>[vector<16xi32>, vector<16xi32>], vector<16xf32>,
        %broadcast_in_dim3A_652 = arith.constant 38 : i32
        %broadcast_in_dim3A_653 = vector.broadcast %broadcast_in_dim3A_652 : i32 to vector<16xi32>
        tpu.vector_store_idx %arg8[%add3A_94, %broadcast_in_dim3A_653], %get3A_612 : memref<832x65xf32, #tpu.memory_space<vmem>>[vector<16xi32>, vector<16xi32>], vector<16xf32>,
        %broadcast_in_dim3A_654 = arith.constant 38 : i32
        %broadcast_in_dim3A_655 = vector.broadcast %broadcast_in_dim3A_654 : i32 to vector<16xi32>
        tpu.vector_store_idx %arg8[%add3A_100, %broadcast_in_dim3A_655], %get3A_617 : memref<832x65xf32, #tpu.memory_space<vmem>>[vector<16xi32>, vector<16xi32>], vector<16xf32>,
        %broadcast_in_dim3A_656 = arith.constant 39 : i32
        %broadcast_in_dim3A_657 = vector.broadcast %broadcast_in_dim3A_656 : i32 to vector<16xi32>
        tpu.vector_store_idx %arg8[%add3A_94, %broadcast_in_dim3A_657], %get3A_622 : memref<832x65xf32, #tpu.memory_space<vmem>>[vector<16xi32>, vector<16xi32>], vector<16xf32>,
        %broadcast_in_dim3A_658 = arith.constant 39 : i32
        %broadcast_in_dim3A_659 = vector.broadcast %broadcast_in_dim3A_658 : i32 to vector<16xi32>
        tpu.vector_store_idx %arg8[%add3A_100, %broadcast_in_dim3A_659], %get3A_627 : memref<832x65xf32, #tpu.memory_space<vmem>>[vector<16xi32>, vector<16xi32>], vector<16xf32>,
        %add3A_660 = arith.constant 40 : i32
        %add3A_661 = arith.addi %mul3A_88, %add3A_660 : i32
        %get3A_662 = arith.index_cast %add3A_661 : i32 to index
        %get3A_663 = arith.constant 0 : index
        %get3A_664 = tpu.vector_load %arg7[%get3A_662, %get3A_663] {strides = array<i32>} : memref<1664x32xf32, #tpu.memory_space<vmem>>, vector<16xf32>,
        %add3A_665 = arith.constant 40 : i32
        %add3A_666 = arith.addi %mul3A_88, %add3A_665 : i32
        %get3A_667 = arith.index_cast %add3A_666 : i32 to index
        %get3A_668 = arith.constant 16 : index
        %get3A_669 = tpu.vector_load %arg7[%get3A_667, %get3A_668] {strides = array<i32>} : memref<1664x32xf32, #tpu.memory_space<vmem>>, vector<16xf32>,
        %add3A_670 = arith.constant 41 : i32
        %add3A_671 = arith.addi %mul3A_88, %add3A_670 : i32
        %get3A_672 = arith.index_cast %add3A_671 : i32 to index
        %get3A_673 = arith.constant 0 : index
        %get3A_674 = tpu.vector_load %arg7[%get3A_672, %get3A_673] {strides = array<i32>} : memref<1664x32xf32, #tpu.memory_space<vmem>>, vector<16xf32>,
        %add3A_675 = arith.constant 41 : i32
        %add3A_676 = arith.addi %mul3A_88, %add3A_675 : i32
        %get3A_677 = arith.index_cast %add3A_676 : i32 to index
        %get3A_678 = arith.constant 16 : index
        %get3A_679 = tpu.vector_load %arg7[%get3A_677, %get3A_678] {strides = array<i32>} : memref<1664x32xf32, #tpu.memory_space<vmem>>, vector<16xf32>,
        %add3A_680 = arith.constant 42 : i32
        %add3A_681 = arith.addi %mul3A_88, %add3A_680 : i32
        %get3A_682 = arith.index_cast %add3A_681 : i32 to index
        %get3A_683 = arith.constant 0 : index
        %get3A_684 = tpu.vector_load %arg7[%get3A_682, %get3A_683] {strides = array<i32>} : memref<1664x32xf32, #tpu.memory_space<vmem>>, vector<16xf32>,
        %add3A_685 = arith.constant 42 : i32
        %add3A_686 = arith.addi %mul3A_88, %add3A_685 : i32
        %get3A_687 = arith.index_cast %add3A_686 : i32 to index
        %get3A_688 = arith.constant 16 : index
        %get3A_689 = tpu.vector_load %arg7[%get3A_687, %get3A_688] {strides = array<i32>} : memref<1664x32xf32, #tpu.memory_space<vmem>>, vector<16xf32>,
        %add3A_690 = arith.constant 43 : i32
        %add3A_691 = arith.addi %mul3A_88, %add3A_690 : i32
        %get3A_692 = arith.index_cast %add3A_691 : i32 to index
        %get3A_693 = arith.constant 0 : index
        %get3A_694 = tpu.vector_load %arg7[%get3A_692, %get3A_693] {strides = array<i32>} : memref<1664x32xf32, #tpu.memory_space<vmem>>, vector<16xf32>,
        %add3A_695 = arith.constant 43 : i32
        %add3A_696 = arith.addi %mul3A_88, %add3A_695 : i32
        %get3A_697 = arith.index_cast %add3A_696 : i32 to index
        %get3A_698 = arith.constant 16 : index
        %get3A_699 = tpu.vector_load %arg7[%get3A_697, %get3A_698] {strides = array<i32>} : memref<1664x32xf32, #tpu.memory_space<vmem>>, vector<16xf32>,
        %add3A_700 = arith.constant 44 : i32
        %add3A_701 = arith.addi %mul3A_88, %add3A_700 : i32
        %get3A_702 = arith.index_cast %add3A_701 : i32 to index
        %get3A_703 = arith.constant 0 : index
        %get3A_704 = tpu.vector_load %arg7[%get3A_702, %get3A_703] {strides = array<i32>} : memref<1664x32xf32, #tpu.memory_space<vmem>>, vector<16xf32>,
        %add3A_705 = arith.constant 44 : i32
        %add3A_706 = arith.addi %mul3A_88, %add3A_705 : i32
        %get3A_707 = arith.index_cast %add3A_706 : i32 to index
        %get3A_708 = arith.constant 16 : index
        %get3A_709 = tpu.vector_load %arg7[%get3A_707, %get3A_708] {strides = array<i32>} : memref<1664x32xf32, #tpu.memory_space<vmem>>, vector<16xf32>,
        %add3A_710 = arith.constant 45 : i32
        %add3A_711 = arith.addi %mul3A_88, %add3A_710 : i32
        %get3A_712 = arith.index_cast %add3A_711 : i32 to index
        %get3A_713 = arith.constant 0 : index
        %get3A_714 = tpu.vector_load %arg7[%get3A_712, %get3A_713] {strides = array<i32>} : memref<1664x32xf32, #tpu.memory_space<vmem>>, vector<16xf32>,
        %add3A_715 = arith.constant 45 : i32
        %add3A_716 = arith.addi %mul3A_88, %add3A_715 : i32
        %get3A_717 = arith.index_cast %add3A_716 : i32 to index
        %get3A_718 = arith.constant 16 : index
        %get3A_719 = tpu.vector_load %arg7[%get3A_717, %get3A_718] {strides = array<i32>} : memref<1664x32xf32, #tpu.memory_space<vmem>>, vector<16xf32>,
        %add3A_720 = arith.constant 46 : i32
        %add3A_721 = arith.addi %mul3A_88, %add3A_720 : i32
        %get3A_722 = arith.index_cast %add3A_721 : i32 to index
        %get3A_723 = arith.constant 0 : index
        %get3A_724 = tpu.vector_load %arg7[%get3A_722, %get3A_723] {strides = array<i32>} : memref<1664x32xf32, #tpu.memory_space<vmem>>, vector<16xf32>,
        %add3A_725 = arith.constant 46 : i32
        %add3A_726 = arith.addi %mul3A_88, %add3A_725 : i32
        %get3A_727 = arith.index_cast %add3A_726 : i32 to index
        %get3A_728 = arith.constant 16 : index
        %get3A_729 = tpu.vector_load %arg7[%get3A_727, %get3A_728] {strides = array<i32>} : memref<1664x32xf32, #tpu.memory_space<vmem>>, vector<16xf32>,
        %add3A_730 = arith.constant 47 : i32
        %add3A_731 = arith.addi %mul3A_88, %add3A_730 : i32
        %get3A_732 = arith.index_cast %add3A_731 : i32 to index
        %get3A_733 = arith.constant 0 : index
        %get3A_734 = tpu.vector_load %arg7[%get3A_732, %get3A_733] {strides = array<i32>} : memref<1664x32xf32, #tpu.memory_space<vmem>>, vector<16xf32>,
        %add3A_735 = arith.constant 47 : i32
        %add3A_736 = arith.addi %mul3A_88, %add3A_735 : i32
        %get3A_737 = arith.index_cast %add3A_736 : i32 to index
        %get3A_738 = arith.constant 16 : index
        %get3A_739 = tpu.vector_load %arg7[%get3A_737, %get3A_738] {strides = array<i32>} : memref<1664x32xf32, #tpu.memory_space<vmem>>, vector<16xf32>,
        %broadcast_in_dim3A_740 = arith.constant 40 : i32
        %broadcast_in_dim3A_741 = vector.broadcast %broadcast_in_dim3A_740 : i32 to vector<16xi32>
        tpu.vector_store_idx %arg8[%add3A_94, %broadcast_in_dim3A_741], %get3A_664 : memref<832x65xf32, #tpu.memory_space<vmem>>[vector<16xi32>, vector<16xi32>], vector<16xf32>,
        %broadcast_in_dim3A_742 = arith.constant 40 : i32
        %broadcast_in_dim3A_743 = vector.broadcast %broadcast_in_dim3A_742 : i32 to vector<16xi32>
        tpu.vector_store_idx %arg8[%add3A_100, %broadcast_in_dim3A_743], %get3A_669 : memref<832x65xf32, #tpu.memory_space<vmem>>[vector<16xi32>, vector<16xi32>], vector<16xf32>,
        %broadcast_in_dim3A_744 = arith.constant 41 : i32
        %broadcast_in_dim3A_745 = vector.broadcast %broadcast_in_dim3A_744 : i32 to vector<16xi32>
        tpu.vector_store_idx %arg8[%add3A_94, %broadcast_in_dim3A_745], %get3A_674 : memref<832x65xf32, #tpu.memory_space<vmem>>[vector<16xi32>, vector<16xi32>], vector<16xf32>,
        %broadcast_in_dim3A_746 = arith.constant 41 : i32
        %broadcast_in_dim3A_747 = vector.broadcast %broadcast_in_dim3A_746 : i32 to vector<16xi32>
        tpu.vector_store_idx %arg8[%add3A_100, %broadcast_in_dim3A_747], %get3A_679 : memref<832x65xf32, #tpu.memory_space<vmem>>[vector<16xi32>, vector<16xi32>], vector<16xf32>,
        %broadcast_in_dim3A_748 = arith.constant 42 : i32
        %broadcast_in_dim3A_749 = vector.broadcast %broadcast_in_dim3A_748 : i32 to vector<16xi32>
        tpu.vector_store_idx %arg8[%add3A_94, %broadcast_in_dim3A_749], %get3A_684 : memref<832x65xf32, #tpu.memory_space<vmem>>[vector<16xi32>, vector<16xi32>], vector<16xf32>,
        %broadcast_in_dim3A_750 = arith.constant 42 : i32
        %broadcast_in_dim3A_751 = vector.broadcast %broadcast_in_dim3A_750 : i32 to vector<16xi32>
        tpu.vector_store_idx %arg8[%add3A_100, %broadcast_in_dim3A_751], %get3A_689 : memref<832x65xf32, #tpu.memory_space<vmem>>[vector<16xi32>, vector<16xi32>], vector<16xf32>,
        %broadcast_in_dim3A_752 = arith.constant 43 : i32
        %broadcast_in_dim3A_753 = vector.broadcast %broadcast_in_dim3A_752 : i32 to vector<16xi32>
        tpu.vector_store_idx %arg8[%add3A_94, %broadcast_in_dim3A_753], %get3A_694 : memref<832x65xf32, #tpu.memory_space<vmem>>[vector<16xi32>, vector<16xi32>], vector<16xf32>,
        %broadcast_in_dim3A_754 = arith.constant 43 : i32
        %broadcast_in_dim3A_755 = vector.broadcast %broadcast_in_dim3A_754 : i32 to vector<16xi32>
        tpu.vector_store_idx %arg8[%add3A_100, %broadcast_in_dim3A_755], %get3A_699 : memref<832x65xf32, #tpu.memory_space<vmem>>[vector<16xi32>, vector<16xi32>], vector<16xf32>,
        %broadcast_in_dim3A_756 = arith.constant 44 : i32
        %broadcast_in_dim3A_757 = vector.broadcast %broadcast_in_dim3A_756 : i32 to vector<16xi32>
        tpu.vector_store_idx %arg8[%add3A_94, %broadcast_in_dim3A_757], %get3A_704 : memref<832x65xf32, #tpu.memory_space<vmem>>[vector<16xi32>, vector<16xi32>], vector<16xf32>,
        %broadcast_in_dim3A_758 = arith.constant 44 : i32
        %broadcast_in_dim3A_759 = vector.broadcast %broadcast_in_dim3A_758 : i32 to vector<16xi32>
        tpu.vector_store_idx %arg8[%add3A_100, %broadcast_in_dim3A_759], %get3A_709 : memref<832x65xf32, #tpu.memory_space<vmem>>[vector<16xi32>, vector<16xi32>], vector<16xf32>,
        %broadcast_in_dim3A_760 = arith.constant 45 : i32
        %broadcast_in_dim3A_761 = vector.broadcast %broadcast_in_dim3A_760 : i32 to vector<16xi32>
        tpu.vector_store_idx %arg8[%add3A_94, %broadcast_in_dim3A_761], %get3A_714 : memref<832x65xf32, #tpu.memory_space<vmem>>[vector<16xi32>, vector<16xi32>], vector<16xf32>,
        %broadcast_in_dim3A_762 = arith.constant 45 : i32
        %broadcast_in_dim3A_763 = vector.broadcast %broadcast_in_dim3A_762 : i32 to vector<16xi32>
        tpu.vector_store_idx %arg8[%add3A_100, %broadcast_in_dim3A_763], %get3A_719 : memref<832x65xf32, #tpu.memory_space<vmem>>[vector<16xi32>, vector<16xi32>], vector<16xf32>,
        %broadcast_in_dim3A_764 = arith.constant 46 : i32
        %broadcast_in_dim3A_765 = vector.broadcast %broadcast_in_dim3A_764 : i32 to vector<16xi32>
        tpu.vector_store_idx %arg8[%add3A_94, %broadcast_in_dim3A_765], %get3A_724 : memref<832x65xf32, #tpu.memory_space<vmem>>[vector<16xi32>, vector<16xi32>], vector<16xf32>,
        %broadcast_in_dim3A_766 = arith.constant 46 : i32
        %broadcast_in_dim3A_767 = vector.broadcast %broadcast_in_dim3A_766 : i32 to vector<16xi32>
        tpu.vector_store_idx %arg8[%add3A_100, %broadcast_in_dim3A_767], %get3A_729 : memref<832x65xf32, #tpu.memory_space<vmem>>[vector<16xi32>, vector<16xi32>], vector<16xf32>,
        %broadcast_in_dim3A_768 = arith.constant 47 : i32
        %broadcast_in_dim3A_769 = vector.broadcast %broadcast_in_dim3A_768 : i32 to vector<16xi32>
        tpu.vector_store_idx %arg8[%add3A_94, %broadcast_in_dim3A_769], %get3A_734 : memref<832x65xf32, #tpu.memory_space<vmem>>[vector<16xi32>, vector<16xi32>], vector<16xf32>,
        %broadcast_in_dim3A_770 = arith.constant 47 : i32
        %broadcast_in_dim3A_771 = vector.broadcast %broadcast_in_dim3A_770 : i32 to vector<16xi32>
        tpu.vector_store_idx %arg8[%add3A_100, %broadcast_in_dim3A_771], %get3A_739 : memref<832x65xf32, #tpu.memory_space<vmem>>[vector<16xi32>, vector<16xi32>], vector<16xf32>,
        %add3A_772 = arith.constant 48 : i32
        %add3A_773 = arith.addi %mul3A_88, %add3A_772 : i32
        %get3A_774 = arith.index_cast %add3A_773 : i32 to index
        %get3A_775 = arith.constant 0 : index
        %get3A_776 = tpu.vector_load %arg7[%get3A_774, %get3A_775] {strides = array<i32>} : memref<1664x32xf32, #tpu.memory_space<vmem>>, vector<16xf32>,
        %add3A_777 = arith.constant 48 : i32
        %add3A_778 = arith.addi %mul3A_88, %add3A_777 : i32
        %get3A_779 = arith.index_cast %add3A_778 : i32 to index
        %get3A_780 = arith.constant 16 : index
        %get3A_781 = tpu.vector_load %arg7[%get3A_779, %get3A_780] {strides = array<i32>} : memref<1664x32xf32, #tpu.memory_space<vmem>>, vector<16xf32>,
        %add3A_782 = arith.constant 49 : i32
        %add3A_783 = arith.addi %mul3A_88, %add3A_782 : i32
        %get3A_784 = arith.index_cast %add3A_783 : i32 to index
        %get3A_785 = arith.constant 0 : index
        %get3A_786 = tpu.vector_load %arg7[%get3A_784, %get3A_785] {strides = array<i32>} : memref<1664x32xf32, #tpu.memory_space<vmem>>, vector<16xf32>,
        %add3A_787 = arith.constant 49 : i32
        %add3A_788 = arith.addi %mul3A_88, %add3A_787 : i32
        %get3A_789 = arith.index_cast %add3A_788 : i32 to index
        %get3A_790 = arith.constant 16 : index
        %get3A_791 = tpu.vector_load %arg7[%get3A_789, %get3A_790] {strides = array<i32>} : memref<1664x32xf32, #tpu.memory_space<vmem>>, vector<16xf32>,
        %add3A_792 = arith.constant 50 : i32
        %add3A_793 = arith.addi %mul3A_88, %add3A_792 : i32
        %get3A_794 = arith.index_cast %add3A_793 : i32 to index
        %get3A_795 = arith.constant 0 : index
        %get3A_796 = tpu.vector_load %arg7[%get3A_794, %get3A_795] {strides = array<i32>} : memref<1664x32xf32, #tpu.memory_space<vmem>>, vector<16xf32>,
        %add3A_797 = arith.constant 50 : i32
        %add3A_798 = arith.addi %mul3A_88, %add3A_797 : i32
        %get3A_799 = arith.index_cast %add3A_798 : i32 to index
        %get3A_800 = arith.constant 16 : index
        %get3A_801 = tpu.vector_load %arg7[%get3A_799, %get3A_800] {strides = array<i32>} : memref<1664x32xf32, #tpu.memory_space<vmem>>, vector<16xf32>,
        %add3A_802 = arith.constant 51 : i32
        %add3A_803 = arith.addi %mul3A_88, %add3A_802 : i32
        %get3A_804 = arith.index_cast %add3A_803 : i32 to index
        %get3A_805 = arith.constant 0 : index
        %get3A_806 = tpu.vector_load %arg7[%get3A_804, %get3A_805] {strides = array<i32>} : memref<1664x32xf32, #tpu.memory_space<vmem>>, vector<16xf32>,
        %add3A_807 = arith.constant 51 : i32
        %add3A_808 = arith.addi %mul3A_88, %add3A_807 : i32
        %get3A_809 = arith.index_cast %add3A_808 : i32 to index
        %get3A_810 = arith.constant 16 : index
        %get3A_811 = tpu.vector_load %arg7[%get3A_809, %get3A_810] {strides = array<i32>} : memref<1664x32xf32, #tpu.memory_space<vmem>>, vector<16xf32>,
        %add3A_812 = arith.constant 52 : i32
        %add3A_813 = arith.addi %mul3A_88, %add3A_812 : i32
        %get3A_814 = arith.index_cast %add3A_813 : i32 to index
        %get3A_815 = arith.constant 0 : index
        %get3A_816 = tpu.vector_load %arg7[%get3A_814, %get3A_815] {strides = array<i32>} : memref<1664x32xf32, #tpu.memory_space<vmem>>, vector<16xf32>,
        %add3A_817 = arith.constant 52 : i32
        %add3A_818 = arith.addi %mul3A_88, %add3A_817 : i32
        %get3A_819 = arith.index_cast %add3A_818 : i32 to index
        %get3A_820 = arith.constant 16 : index
        %get3A_821 = tpu.vector_load %arg7[%get3A_819, %get3A_820] {strides = array<i32>} : memref<1664x32xf32, #tpu.memory_space<vmem>>, vector<16xf32>,
        %add3A_822 = arith.constant 53 : i32
        %add3A_823 = arith.addi %mul3A_88, %add3A_822 : i32
        %get3A_824 = arith.index_cast %add3A_823 : i32 to index
        %get3A_825 = arith.constant 0 : index
        %get3A_826 = tpu.vector_load %arg7[%get3A_824, %get3A_825] {strides = array<i32>} : memref<1664x32xf32, #tpu.memory_space<vmem>>, vector<16xf32>,
        %add3A_827 = arith.constant 53 : i32
        %add3A_828 = arith.addi %mul3A_88, %add3A_827 : i32
        %get3A_829 = arith.index_cast %add3A_828 : i32 to index
        %get3A_830 = arith.constant 16 : index
        %get3A_831 = tpu.vector_load %arg7[%get3A_829, %get3A_830] {strides = array<i32>} : memref<1664x32xf32, #tpu.memory_space<vmem>>, vector<16xf32>,
        %add3A_832 = arith.constant 54 : i32
        %add3A_833 = arith.addi %mul3A_88, %add3A_832 : i32
        %get3A_834 = arith.index_cast %add3A_833 : i32 to index
        %get3A_835 = arith.constant 0 : index
        %get3A_836 = tpu.vector_load %arg7[%get3A_834, %get3A_835] {strides = array<i32>} : memref<1664x32xf32, #tpu.memory_space<vmem>>, vector<16xf32>,
        %add3A_837 = arith.constant 54 : i32
        %add3A_838 = arith.addi %mul3A_88, %add3A_837 : i32
        %get3A_839 = arith.index_cast %add3A_838 : i32 to index
        %get3A_840 = arith.constant 16 : index
        %get3A_841 = tpu.vector_load %arg7[%get3A_839, %get3A_840] {strides = array<i32>} : memref<1664x32xf32, #tpu.memory_space<vmem>>, vector<16xf32>,
        %add3A_842 = arith.constant 55 : i32
        %add3A_843 = arith.addi %mul3A_88, %add3A_842 : i32
        %get3A_844 = arith.index_cast %add3A_843 : i32 to index
        %get3A_845 = arith.constant 0 : index
        %get3A_846 = tpu.vector_load %arg7[%get3A_844, %get3A_845] {strides = array<i32>} : memref<1664x32xf32, #tpu.memory_space<vmem>>, vector<16xf32>,
        %add3A_847 = arith.constant 55 : i32
        %add3A_848 = arith.addi %mul3A_88, %add3A_847 : i32
        %get3A_849 = arith.index_cast %add3A_848 : i32 to index
        %get3A_850 = arith.constant 16 : index
        %get3A_851 = tpu.vector_load %arg7[%get3A_849, %get3A_850] {strides = array<i32>} : memref<1664x32xf32, #tpu.memory_space<vmem>>, vector<16xf32>,
        %broadcast_in_dim3A_852 = arith.constant 48 : i32
        %broadcast_in_dim3A_853 = vector.broadcast %broadcast_in_dim3A_852 : i32 to vector<16xi32>
        tpu.vector_store_idx %arg8[%add3A_94, %broadcast_in_dim3A_853], %get3A_776 : memref<832x65xf32, #tpu.memory_space<vmem>>[vector<16xi32>, vector<16xi32>], vector<16xf32>,
        %broadcast_in_dim3A_854 = arith.constant 48 : i32
        %broadcast_in_dim3A_855 = vector.broadcast %broadcast_in_dim3A_854 : i32 to vector<16xi32>
        tpu.vector_store_idx %arg8[%add3A_100, %broadcast_in_dim3A_855], %get3A_781 : memref<832x65xf32, #tpu.memory_space<vmem>>[vector<16xi32>, vector<16xi32>], vector<16xf32>,
        %broadcast_in_dim3A_856 = arith.constant 49 : i32
        %broadcast_in_dim3A_857 = vector.broadcast %broadcast_in_dim3A_856 : i32 to vector<16xi32>
        tpu.vector_store_idx %arg8[%add3A_94, %broadcast_in_dim3A_857], %get3A_786 : memref<832x65xf32, #tpu.memory_space<vmem>>[vector<16xi32>, vector<16xi32>], vector<16xf32>,
        %broadcast_in_dim3A_858 = arith.constant 49 : i32
        %broadcast_in_dim3A_859 = vector.broadcast %broadcast_in_dim3A_858 : i32 to vector<16xi32>
        tpu.vector_store_idx %arg8[%add3A_100, %broadcast_in_dim3A_859], %get3A_791 : memref<832x65xf32, #tpu.memory_space<vmem>>[vector<16xi32>, vector<16xi32>], vector<16xf32>,
        %broadcast_in_dim3A_860 = arith.constant 50 : i32
        %broadcast_in_dim3A_861 = vector.broadcast %broadcast_in_dim3A_860 : i32 to vector<16xi32>
        tpu.vector_store_idx %arg8[%add3A_94, %broadcast_in_dim3A_861], %get3A_796 : memref<832x65xf32, #tpu.memory_space<vmem>>[vector<16xi32>, vector<16xi32>], vector<16xf32>,
        %broadcast_in_dim3A_862 = arith.constant 50 : i32
        %broadcast_in_dim3A_863 = vector.broadcast %broadcast_in_dim3A_862 : i32 to vector<16xi32>
        tpu.vector_store_idx %arg8[%add3A_100, %broadcast_in_dim3A_863], %get3A_801 : memref<832x65xf32, #tpu.memory_space<vmem>>[vector<16xi32>, vector<16xi32>], vector<16xf32>,
        %broadcast_in_dim3A_864 = arith.constant 51 : i32
        %broadcast_in_dim3A_865 = vector.broadcast %broadcast_in_dim3A_864 : i32 to vector<16xi32>
        tpu.vector_store_idx %arg8[%add3A_94, %broadcast_in_dim3A_865], %get3A_806 : memref<832x65xf32, #tpu.memory_space<vmem>>[vector<16xi32>, vector<16xi32>], vector<16xf32>,
        %broadcast_in_dim3A_866 = arith.constant 51 : i32
        %broadcast_in_dim3A_867 = vector.broadcast %broadcast_in_dim3A_866 : i32 to vector<16xi32>
        tpu.vector_store_idx %arg8[%add3A_100, %broadcast_in_dim3A_867], %get3A_811 : memref<832x65xf32, #tpu.memory_space<vmem>>[vector<16xi32>, vector<16xi32>], vector<16xf32>,
        %broadcast_in_dim3A_868 = arith.constant 52 : i32
        %broadcast_in_dim3A_869 = vector.broadcast %broadcast_in_dim3A_868 : i32 to vector<16xi32>
        tpu.vector_store_idx %arg8[%add3A_94, %broadcast_in_dim3A_869], %get3A_816 : memref<832x65xf32, #tpu.memory_space<vmem>>[vector<16xi32>, vector<16xi32>], vector<16xf32>,
        %broadcast_in_dim3A_870 = arith.constant 52 : i32
        %broadcast_in_dim3A_871 = vector.broadcast %broadcast_in_dim3A_870 : i32 to vector<16xi32>
        tpu.vector_store_idx %arg8[%add3A_100, %broadcast_in_dim3A_871], %get3A_821 : memref<832x65xf32, #tpu.memory_space<vmem>>[vector<16xi32>, vector<16xi32>], vector<16xf32>,
        %broadcast_in_dim3A_872 = arith.constant 53 : i32
        %broadcast_in_dim3A_873 = vector.broadcast %broadcast_in_dim3A_872 : i32 to vector<16xi32>
        tpu.vector_store_idx %arg8[%add3A_94, %broadcast_in_dim3A_873], %get3A_826 : memref<832x65xf32, #tpu.memory_space<vmem>>[vector<16xi32>, vector<16xi32>], vector<16xf32>,
        %broadcast_in_dim3A_874 = arith.constant 53 : i32
        %broadcast_in_dim3A_875 = vector.broadcast %broadcast_in_dim3A_874 : i32 to vector<16xi32>
        tpu.vector_store_idx %arg8[%add3A_100, %broadcast_in_dim3A_875], %get3A_831 : memref<832x65xf32, #tpu.memory_space<vmem>>[vector<16xi32>, vector<16xi32>], vector<16xf32>,
        %broadcast_in_dim3A_876 = arith.constant 54 : i32
        %broadcast_in_dim3A_877 = vector.broadcast %broadcast_in_dim3A_876 : i32 to vector<16xi32>
        tpu.vector_store_idx %arg8[%add3A_94, %broadcast_in_dim3A_877], %get3A_836 : memref<832x65xf32, #tpu.memory_space<vmem>>[vector<16xi32>, vector<16xi32>], vector<16xf32>,
        %broadcast_in_dim3A_878 = arith.constant 54 : i32
        %broadcast_in_dim3A_879 = vector.broadcast %broadcast_in_dim3A_878 : i32 to vector<16xi32>
        tpu.vector_store_idx %arg8[%add3A_100, %broadcast_in_dim3A_879], %get3A_841 : memref<832x65xf32, #tpu.memory_space<vmem>>[vector<16xi32>, vector<16xi32>], vector<16xf32>,
        %broadcast_in_dim3A_880 = arith.constant 55 : i32
        %broadcast_in_dim3A_881 = vector.broadcast %broadcast_in_dim3A_880 : i32 to vector<16xi32>
        tpu.vector_store_idx %arg8[%add3A_94, %broadcast_in_dim3A_881], %get3A_846 : memref<832x65xf32, #tpu.memory_space<vmem>>[vector<16xi32>, vector<16xi32>], vector<16xf32>,
        %broadcast_in_dim3A_882 = arith.constant 55 : i32
        %broadcast_in_dim3A_883 = vector.broadcast %broadcast_in_dim3A_882 : i32 to vector<16xi32>
        tpu.vector_store_idx %arg8[%add3A_100, %broadcast_in_dim3A_883], %get3A_851 : memref<832x65xf32, #tpu.memory_space<vmem>>[vector<16xi32>, vector<16xi32>], vector<16xf32>,
        %add3A_884 = arith.constant 56 : i32
        %add3A_885 = arith.addi %mul3A_88, %add3A_884 : i32
        %get3A_886 = arith.index_cast %add3A_885 : i32 to index
        %get3A_887 = arith.constant 0 : index
        %get3A_888 = tpu.vector_load %arg7[%get3A_886, %get3A_887] {strides = array<i32>} : memref<1664x32xf32, #tpu.memory_space<vmem>>, vector<16xf32>,
        %add3A_889 = arith.constant 56 : i32
        %add3A_890 = arith.addi %mul3A_88, %add3A_889 : i32
        %get3A_891 = arith.index_cast %add3A_890 : i32 to index
        %get3A_892 = arith.constant 16 : index
        %get3A_893 = tpu.vector_load %arg7[%get3A_891, %get3A_892] {strides = array<i32>} : memref<1664x32xf32, #tpu.memory_space<vmem>>, vector<16xf32>,
        %add3A_894 = arith.constant 57 : i32
        %add3A_895 = arith.addi %mul3A_88, %add3A_894 : i32
        %get3A_896 = arith.index_cast %add3A_895 : i32 to index
        %get3A_897 = arith.constant 0 : index
        %get3A_898 = tpu.vector_load %arg7[%get3A_896, %get3A_897] {strides = array<i32>} : memref<1664x32xf32, #tpu.memory_space<vmem>>, vector<16xf32>,
        %add3A_899 = arith.constant 57 : i32
        %add3A_900 = arith.addi %mul3A_88, %add3A_899 : i32
        %get3A_901 = arith.index_cast %add3A_900 : i32 to index
        %get3A_902 = arith.constant 16 : index
        %get3A_903 = tpu.vector_load %arg7[%get3A_901, %get3A_902] {strides = array<i32>} : memref<1664x32xf32, #tpu.memory_space<vmem>>, vector<16xf32>,
        %add3A_904 = arith.constant 58 : i32
        %add3A_905 = arith.addi %mul3A_88, %add3A_904 : i32
        %get3A_906 = arith.index_cast %add3A_905 : i32 to index
        %get3A_907 = arith.constant 0 : index
        %get3A_908 = tpu.vector_load %arg7[%get3A_906, %get3A_907] {strides = array<i32>} : memref<1664x32xf32, #tpu.memory_space<vmem>>, vector<16xf32>,
        %add3A_909 = arith.constant 58 : i32
        %add3A_910 = arith.addi %mul3A_88, %add3A_909 : i32
        %get3A_911 = arith.index_cast %add3A_910 : i32 to index
        %get3A_912 = arith.constant 16 : index
        %get3A_913 = tpu.vector_load %arg7[%get3A_911, %get3A_912] {strides = array<i32>} : memref<1664x32xf32, #tpu.memory_space<vmem>>, vector<16xf32>,
        %add3A_914 = arith.constant 59 : i32
        %add3A_915 = arith.addi %mul3A_88, %add3A_914 : i32
        %get3A_916 = arith.index_cast %add3A_915 : i32 to index
        %get3A_917 = arith.constant 0 : index
        %get3A_918 = tpu.vector_load %arg7[%get3A_916, %get3A_917] {strides = array<i32>} : memref<1664x32xf32, #tpu.memory_space<vmem>>, vector<16xf32>,
        %add3A_919 = arith.constant 59 : i32
        %add3A_920 = arith.addi %mul3A_88, %add3A_919 : i32
        %get3A_921 = arith.index_cast %add3A_920 : i32 to index
        %get3A_922 = arith.constant 16 : index
        %get3A_923 = tpu.vector_load %arg7[%get3A_921, %get3A_922] {strides = array<i32>} : memref<1664x32xf32, #tpu.memory_space<vmem>>, vector<16xf32>,
        %add3A_924 = arith.constant 60 : i32
        %add3A_925 = arith.addi %mul3A_88, %add3A_924 : i32
        %get3A_926 = arith.index_cast %add3A_925 : i32 to index
        %get3A_927 = arith.constant 0 : index
        %get3A_928 = tpu.vector_load %arg7[%get3A_926, %get3A_927] {strides = array<i32>} : memref<1664x32xf32, #tpu.memory_space<vmem>>, vector<16xf32>,
        %add3A_929 = arith.constant 60 : i32
        %add3A_930 = arith.addi %mul3A_88, %add3A_929 : i32
        %get3A_931 = arith.index_cast %add3A_930 : i32 to index
        %get3A_932 = arith.constant 16 : index
        %get3A_933 = tpu.vector_load %arg7[%get3A_931, %get3A_932] {strides = array<i32>} : memref<1664x32xf32, #tpu.memory_space<vmem>>, vector<16xf32>,
        %add3A_934 = arith.constant 61 : i32
        %add3A_935 = arith.addi %mul3A_88, %add3A_934 : i32
        %get3A_936 = arith.index_cast %add3A_935 : i32 to index
        %get3A_937 = arith.constant 0 : index
        %get3A_938 = tpu.vector_load %arg7[%get3A_936, %get3A_937] {strides = array<i32>} : memref<1664x32xf32, #tpu.memory_space<vmem>>, vector<16xf32>,
        %add3A_939 = arith.constant 61 : i32
        %add3A_940 = arith.addi %mul3A_88, %add3A_939 : i32
        %get3A_941 = arith.index_cast %add3A_940 : i32 to index
        %get3A_942 = arith.constant 16 : index
        %get3A_943 = tpu.vector_load %arg7[%get3A_941, %get3A_942] {strides = array<i32>} : memref<1664x32xf32, #tpu.memory_space<vmem>>, vector<16xf32>,
        %add3A_944 = arith.constant 62 : i32
        %add3A_945 = arith.addi %mul3A_88, %add3A_944 : i32
        %get3A_946 = arith.index_cast %add3A_945 : i32 to index
        %get3A_947 = arith.constant 0 : index
        %get3A_948 = tpu.vector_load %arg7[%get3A_946, %get3A_947] {strides = array<i32>} : memref<1664x32xf32, #tpu.memory_space<vmem>>, vector<16xf32>,
        %add3A_949 = arith.constant 62 : i32
        %add3A_950 = arith.addi %mul3A_88, %add3A_949 : i32
        %get3A_951 = arith.index_cast %add3A_950 : i32 to index
        %get3A_952 = arith.constant 16 : index
        %get3A_953 = tpu.vector_load %arg7[%get3A_951, %get3A_952] {strides = array<i32>} : memref<1664x32xf32, #tpu.memory_space<vmem>>, vector<16xf32>,
        %add3A_954 = arith.constant 63 : i32
        %add3A_955 = arith.addi %mul3A_88, %add3A_954 : i32
        %get3A_956 = arith.index_cast %add3A_955 : i32 to index
        %get3A_957 = arith.constant 0 : index
        %get3A_958 = tpu.vector_load %arg7[%get3A_956, %get3A_957] {strides = array<i32>} : memref<1664x32xf32, #tpu.memory_space<vmem>>, vector<16xf32>,
        %add3A_959 = arith.constant 63 : i32
        %add3A_960 = arith.addi %mul3A_88, %add3A_959 : i32
        %get3A_961 = arith.index_cast %add3A_960 : i32 to index
        %get3A_962 = arith.constant 16 : index
        %get3A_963 = tpu.vector_load %arg7[%get3A_961, %get3A_962] {strides = array<i32>} : memref<1664x32xf32, #tpu.memory_space<vmem>>, vector<16xf32>,
        %broadcast_in_dim3A_964 = arith.constant 56 : i32
        %broadcast_in_dim3A_965 = vector.broadcast %broadcast_in_dim3A_964 : i32 to vector<16xi32>
        tpu.vector_store_idx %arg8[%add3A_94, %broadcast_in_dim3A_965], %get3A_888 : memref<832x65xf32, #tpu.memory_space<vmem>>[vector<16xi32>, vector<16xi32>], vector<16xf32>,
        %broadcast_in_dim3A_966 = arith.constant 56 : i32
        %broadcast_in_dim3A_967 = vector.broadcast %broadcast_in_dim3A_966 : i32 to vector<16xi32>
        tpu.vector_store_idx %arg8[%add3A_100, %broadcast_in_dim3A_967], %get3A_893 : memref<832x65xf32, #tpu.memory_space<vmem>>[vector<16xi32>, vector<16xi32>], vector<16xf32>,
        %broadcast_in_dim3A_968 = arith.constant 57 : i32
        %broadcast_in_dim3A_969 = vector.broadcast %broadcast_in_dim3A_968 : i32 to vector<16xi32>
        tpu.vector_store_idx %arg8[%add3A_94, %broadcast_in_dim3A_969], %get3A_898 : memref<832x65xf32, #tpu.memory_space<vmem>>[vector<16xi32>, vector<16xi32>], vector<16xf32>,
        %broadcast_in_dim3A_970 = arith.constant 57 : i32
        %broadcast_in_dim3A_971 = vector.broadcast %broadcast_in_dim3A_970 : i32 to vector<16xi32>
        tpu.vector_store_idx %arg8[%add3A_100, %broadcast_in_dim3A_971], %get3A_903 : memref<832x65xf32, #tpu.memory_space<vmem>>[vector<16xi32>, vector<16xi32>], vector<16xf32>,
        %broadcast_in_dim3A_972 = arith.constant 58 : i32
        %broadcast_in_dim3A_973 = vector.broadcast %broadcast_in_dim3A_972 : i32 to vector<16xi32>
        tpu.vector_store_idx %arg8[%add3A_94, %broadcast_in_dim3A_973], %get3A_908 : memref<832x65xf32, #tpu.memory_space<vmem>>[vector<16xi32>, vector<16xi32>], vector<16xf32>,
        %broadcast_in_dim3A_974 = arith.constant 58 : i32
        %broadcast_in_dim3A_975 = vector.broadcast %broadcast_in_dim3A_974 : i32 to vector<16xi32>
        tpu.vector_store_idx %arg8[%add3A_100, %broadcast_in_dim3A_975], %get3A_913 : memref<832x65xf32, #tpu.memory_space<vmem>>[vector<16xi32>, vector<16xi32>], vector<16xf32>,
        %broadcast_in_dim3A_976 = arith.constant 59 : i32
        %broadcast_in_dim3A_977 = vector.broadcast %broadcast_in_dim3A_976 : i32 to vector<16xi32>
        tpu.vector_store_idx %arg8[%add3A_94, %broadcast_in_dim3A_977], %get3A_918 : memref<832x65xf32, #tpu.memory_space<vmem>>[vector<16xi32>, vector<16xi32>], vector<16xf32>,
        %broadcast_in_dim3A_978 = arith.constant 59 : i32
        %broadcast_in_dim3A_979 = vector.broadcast %broadcast_in_dim3A_978 : i32 to vector<16xi32>
        tpu.vector_store_idx %arg8[%add3A_100, %broadcast_in_dim3A_979], %get3A_923 : memref<832x65xf32, #tpu.memory_space<vmem>>[vector<16xi32>, vector<16xi32>], vector<16xf32>,
        %broadcast_in_dim3A_980 = arith.constant 60 : i32
        %broadcast_in_dim3A_981 = vector.broadcast %broadcast_in_dim3A_980 : i32 to vector<16xi32>
        tpu.vector_store_idx %arg8[%add3A_94, %broadcast_in_dim3A_981], %get3A_928 : memref<832x65xf32, #tpu.memory_space<vmem>>[vector<16xi32>, vector<16xi32>], vector<16xf32>,
        %broadcast_in_dim3A_982 = arith.constant 60 : i32
        %broadcast_in_dim3A_983 = vector.broadcast %broadcast_in_dim3A_982 : i32 to vector<16xi32>
        tpu.vector_store_idx %arg8[%add3A_100, %broadcast_in_dim3A_983], %get3A_933 : memref<832x65xf32, #tpu.memory_space<vmem>>[vector<16xi32>, vector<16xi32>], vector<16xf32>,
        %broadcast_in_dim3A_984 = arith.constant 61 : i32
        %broadcast_in_dim3A_985 = vector.broadcast %broadcast_in_dim3A_984 : i32 to vector<16xi32>
        tpu.vector_store_idx %arg8[%add3A_94, %broadcast_in_dim3A_985], %get3A_938 : memref<832x65xf32, #tpu.memory_space<vmem>>[vector<16xi32>, vector<16xi32>], vector<16xf32>,
        %broadcast_in_dim3A_986 = arith.constant 61 : i32
        %broadcast_in_dim3A_987 = vector.broadcast %broadcast_in_dim3A_986 : i32 to vector<16xi32>
        tpu.vector_store_idx %arg8[%add3A_100, %broadcast_in_dim3A_987], %get3A_943 : memref<832x65xf32, #tpu.memory_space<vmem>>[vector<16xi32>, vector<16xi32>], vector<16xf32>,
        %broadcast_in_dim3A_988 = arith.constant 62 : i32
        %broadcast_in_dim3A_989 = vector.broadcast %broadcast_in_dim3A_988 : i32 to vector<16xi32>
        tpu.vector_store_idx %arg8[%add3A_94, %broadcast_in_dim3A_989], %get3A_948 : memref<832x65xf32, #tpu.memory_space<vmem>>[vector<16xi32>, vector<16xi32>], vector<16xf32>,
        %broadcast_in_dim3A_990 = arith.constant 62 : i32
        %broadcast_in_dim3A_991 = vector.broadcast %broadcast_in_dim3A_990 : i32 to vector<16xi32>
        tpu.vector_store_idx %arg8[%add3A_100, %broadcast_in_dim3A_991], %get3A_953 : memref<832x65xf32, #tpu.memory_space<vmem>>[vector<16xi32>, vector<16xi32>], vector<16xf32>,
        %broadcast_in_dim3A_992 = arith.constant 63 : i32
        %broadcast_in_dim3A_993 = vector.broadcast %broadcast_in_dim3A_992 : i32 to vector<16xi32>
        tpu.vector_store_idx %arg8[%add3A_94, %broadcast_in_dim3A_993], %get3A_958 : memref<832x65xf32, #tpu.memory_space<vmem>>[vector<16xi32>, vector<16xi32>], vector<16xf32>,
        %broadcast_in_dim3A_994 = arith.constant 63 : i32
        %broadcast_in_dim3A_995 = vector.broadcast %broadcast_in_dim3A_994 : i32 to vector<16xi32>
        tpu.vector_store_idx %arg8[%add3A_100, %broadcast_in_dim3A_995], %get3A_963 : memref<832x65xf32, #tpu.memory_space<vmem>>[vector<16xi32>, vector<16xi32>], vector<16xf32>,
      }
      %scan3A_81 = arith.constant 26 : i32
      "tpu.region"() ({
        %run_scoped3A = tpu.sem_alloc : memref<!tpu.dma_semaphore, #tpu.memory_space<semaphore_mem>>
        %dma_start3A_82 = arith.constant 0 : i32
        %dma_start3A_83 = arith.constant 0 : i32
        %dma_start3A_84 = tpu.memref_slice %arg8[%dma_start3A_82, %dma_start3A_83] : memref<832x65xf32, #tpu.memory_space<vmem>> -> memref<832x64xf32, #tpu.memory_space<vmem>>
        %dma_start3A_85 = arith.constant 0 : i32
        %dma_start3A_86 = tpu.memref_slice %arg4[%dma_start3A_85, %add3A_17] : memref<832x16384xf32, #tpu.memory_space<hbm>> -> memref<832x64xf32, #tpu.memory_space<hbm>>
        %dma_start3A_87 = arith.constant 0 : i32
        %dma_start3A_88 = tpu.memref_slice %arg4[%dma_start3A_87, %add3A_17] : memref<832x16384xf32, #tpu.memory_space<hbm>> -> memref<832x64xf32, #tpu.memory_space<hbm>>
        %dma_start3A_89 = arith.constant 0 : i32
        %dma_start3A_90 = arith.constant 0 : i32
        %dma_start3A_91 = tpu.memref_slice %arg8[%dma_start3A_89, %dma_start3A_90] : memref<832x65xf32, #tpu.memory_space<vmem>> -> memref<832x64xf32, #tpu.memory_space<vmem>>
        tpu.enqueue_dma source(%dma_start3A_91 : memref<832x64xf32, #tpu.memory_space<vmem>>) target(%dma_start3A_88 : memref<832x64xf32, #tpu.memory_space<hbm>>) target_semaphore(%run_scoped3A : memref<!tpu.dma_semaphore, #tpu.memory_space<semaphore_mem>>)
        %dma_wait3A_92 = arith.constant 0 : i32
        %dma_wait3A_93 = arith.constant 0 : i32
        %dma_wait3A_94 = tpu.memref_slice %arg8[%dma_wait3A_92, %dma_wait3A_93] : memref<832x65xf32, #tpu.memory_space<vmem>> -> memref<832x64xf32, #tpu.memory_space<vmem>>
        %dma_wait3A_95 = arith.constant 0 : i32
        %dma_wait3A_96 = tpu.memref_slice %arg4[%dma_wait3A_95, %add3A_17] : memref<832x16384xf32, #tpu.memory_space<hbm>> -> memref<832x64xf32, #tpu.memory_space<hbm>>
        %dma_wait3A_97 = arith.constant 0 : i32
        %dma_wait3A_98 = tpu.memref_slice %arg4[%dma_wait3A_97, %add3A_17] : memref<832x16384xf32, #tpu.memory_space<hbm>> -> memref<832x64xf32, #tpu.memory_space<hbm>>
        %dma_wait3A_99 = arith.constant 0 : i32
        %dma_wait3A_100 = arith.constant 0 : i32
        %dma_wait3A_101 = tpu.memref_slice %arg8[%dma_wait3A_99, %dma_wait3A_100] : memref<832x65xf32, #tpu.memory_space<vmem>> -> memref<832x64xf32, #tpu.memory_space<vmem>>
        tpu.wait_dma2 semaphore(%run_scoped3A : memref<!tpu.dma_semaphore, #tpu.memory_space<semaphore_mem>>) src(%dma_wait3A_101 : memref<832x64xf32, #tpu.memory_space<vmem>>) dst(%dma_wait3A_98 : memref<832x64xf32, #tpu.memory_space<hbm>>)
        tpu.yield
      }) : () -> ()
    }
    %scan3A_9 = arith.constant 8 : i32
    return
  }
}

</mosaic_0001>

<sc_bundles>
// kernel: kernel.3.cloned.1.call-start
scs
__scs_entry_jumppad:
0x0: {  	(pc) =	sbr.rel $0x88, $3  }
0x1: {  	(tag) =	ssettag $0x0;
	lr =	simm.s32 $0x1  }
0x2: {  	[smem:$0x3F9F] =	sst lr;
	_ =	strace $0xD0000000  }
0x3: {  	_ = 	snop  }
0x4: {  	_ = 	snop  }
0x5: {  	_ = 	snop  }
0x6: {  	_ = 	snop  }
0x7: {  	_ = 	snop  }
__scs_overlays_trampoline_lowered:
0x8: {  	[smem:$0x3FAE] =	sst s0  }
0x9: {  	[smem:$0x3FAF] =	sst s1  }
0xa: {  	[smem:$0x3FB0] =	sst s2  }
0xb: {  	[smem:$0x3FB1] =	sst s3  }
0xc: {  	[smem:$0x3FB2] =	sst s4  }
0xd: {  	[smem:$0x3FB3] =	sst s5  }
0xe: {  	[smem:$0x3FB4] =	sst s6  }
0xf: {  	[smem:$0x3FB5] =	sst s7  }
0x10: {  	[smem:$0x3FB6] =	sst s8  }
0x11: {  	[smem:$0x3FB7] =	sst s9;
	s0 =	simm.s32 @!p0 $0x0  }
0x12: {  	s1 =	sld [smem:$0x3F9D];
	s0 =	simm.s32 @p0 $0x1  }
0x13: {  	[smem:$0x3FB8] =	sst s0;
	s0 =	simm.s32 @!p1 $0x0  }
0x14: {  	s2 =	sld [smem:$0x3F9C];
	s0 =	simm.s32 @p1 $0x1  }
0x15: {  	[smem:$0x3FB9] =	sst s0;
	s0 =	simm.s32 @!p2 $0x0  }
0x16: {  	s3 =	sld [smem:$0x3FDB];
	s0 =	simm.s32 @p2 $0x1  }
0x17: {  	s4 =	simm.s32 $0x1BF5;
	[smem:$0x3FBB] =	sst s0  }
0x18: {  	s0 =	sld [smem:$0x3F9E];
	_ =	swait.ge [sflag:s4], $0x0  }
0x19: {  	s7 =	sld [smem:$0x3F9F]  }
0x1a: {  	s8 =	sadd.s32 $0xFFFFE003, lr  }
0x1b: {  	s9 =	sadd.s32 $0xFFFFFEF7, lr;
	s5 =	simm.s32 $0xFFFFFFFF;
	p2 =	slt.u32 s8, $0xFFFFF086  }
0x1c: {  	p1 =	slt.u32 s9, $0xF7A;
	s5 =	simm.s32 @!p2 $0x0  }
0x1d: {  	s5 =	simm.s32 @p1 $0x1;
	p0 =	seq.s32 s7, s2  }
0x1e: {  	s7 =	smul.u32 @!p0 $0xF7A, s2;
	p2 =	seq.s32 @!p0 s5, $0x0  }
0x1f: {  	s9 =	smul.u32 $0xF7A, s1;
	s8 =	simm.s32 @!p0 $0x1BF5;
	p2 =	por !p2, p0  }
0x20: {  	[sflag:s8] =	ssyncset.s32 @!p0 $0xFFFFF086;
	s6 =	sadd.s32 @!p0 s3, s7;
	s7 =	simm.s32 @!p0 $0x108  }
0x21: {  	s3 =	sadd.s32 s3, s9;
	s6 =	sadd.s32 @!p0 $0x88, s6;
	s7 =	simm.s32 @p2 $0x1082  }
0x22: {  	[simem:s7], [sflag:s8] =	dma.local @!p0 [hbm:s6], $0xF7A  }
0x23: {  	s9 =	sor.u32 $0xD0000000, s2;
	s6 =	simm.s32 $0x108;
	_ =	swait.ge @!p0 [sflag:s8], $0x0  }
0x24: {  	s3 =	sadd.s32 $0x88, s3;
	s6 =	simm.s32 @!p1 $0x1082;
	[sflag:s4] =	ssyncset.s32 $0xFFFFF086  }
0x25: {  	[simem:s6], [sflag:s4] =	dma.local [hbm:s3], $0xF7A  }
0x26: {  	[smem:$0x3F9F] =	sst s1;
	(tag) =	ssettag s2;
	_ =	strace s9  }
0x27: {  	s1 =	sld [smem:$0x3FAF]  }
0x28: {  	s2 =	sld [smem:$0x3FB0]  }
0x29: {  	s4 =	sld [smem:$0x3FB2]  }
0x2a: {  	p0 =	seq.s32 s5, $0x0;
	s5 =	sld [smem:$0x3FB3]  }
0x2b: {  	s6 =	sld [smem:$0x3FB4]  }
0x2c: {  	s7 =	sld [smem:$0x3FB5]  }
0x2d: {  	s3 =	simm.s32 $0x108;
	s8 =	sld [smem:$0x3FB6]  }
0x2e: {  	s3 =	simm.s32 @!p0 $0x1082;
	s9 =	sld [smem:$0x3FB7]  }
0x2f: {  	lr =	sadd.s32 s0, s3;
	s0 =	sld [smem:$0x3FAE]  }
0x30: {  	s3 =	sld [smem:$0x3FB1]  }
0x31: {  	[smem:$0x3FBA] =	sst s10  }
0x32: {  	s10 =	sld [smem:$0x3FB8];
	_ =	sdelay $0x3  }
0x33: {  	p0 =	seq.s32 s10, $0x1;
	s10 =	sld [smem:$0x3FBA];
	_ =	sdelay $0x3  }
0x34: {  	[smem:$0x3FBA] =	sst s10  }
0x35: {  	s10 =	sld [smem:$0x3FB9];
	_ =	sdelay $0x3  }
0x36: {  	p1 =	seq.s32 s10, $0x1;
	s10 =	sld [smem:$0x3FBA];
	_ =	sdelay $0x3  }
0x37: {  	[smem:$0x3FBA] =	sst s10  }
0x38: {  	s10 =	sld [smem:$0x3FBB]  }
0x39: {  	_ = 	snop;
	(pc) =	sbr.ind lr, $3  }
0x3a: {  	_ = 	snop  }
0x3b: {  	_ = 	snop  }
0x3c: {  	p2 =	seq.s32 s10, $0x1;
	s10 =	sld [smem:$0x3FBA]  }
0x3d: {  	_ =	shalt  }
0x3e: {  	_ =	shalt  }
0x3f: {  	_ =	shalt  }
0x40: {  	_ =	shalt  }
0x41: {  	_ =	shalt  }
0x42: {  	_ =	shalt  }
0x43: {  	_ =	shalt  }
0x44: {  	_ =	shalt  }
0x45: {  	_ =	shalt  }
0x46: {  	_ =	shalt  }
0x47: {  	_ =	shalt  }
0x48: {  	_ =	shalt  }
0x49: {  	_ =	shalt  }
0x4a: {  	_ =	shalt  }
0x4b: {  	_ =	shalt  }
0x4c: {  	_ =	shalt  }
0x4d: {  	_ =	shalt  }
0x4e: {  	_ =	shalt  }
0x4f: {  	_ =	shalt  }
0x50: {  	_ =	shalt  }
0x51: {  	_ =	shalt  }
0x52: {  	_ =	shalt  }
0x53: {  	_ =	shalt  }
0x54: {  	_ =	shalt  }
0x55: {  	_ =	shalt  }
0x56: {  	_ =	shalt  }
0x57: {  	_ =	shalt  }
0x58: {  	_ =	shalt  }
0x59: {  	_ =	shalt  }
0x5a: {  	_ =	shalt  }
0x5b: {  	_ =	shalt  }
0x5c: {  	_ =	shalt  }
0x5d: {  	_ =	shalt  }
0x5e: {  	_ =	shalt  }
0x5f: {  	_ =	shalt  }
0x60: {  	_ =	shalt  }
0x61: {  	_ =	shalt  }
0x62: {  	_ =	shalt  }
0x63: {  	_ =	shalt  }
0x64: {  	_ =	shalt  }
0x65: {  	_ =	shalt  }
0x66: {  	_ =	shalt  }
0x67: {  	_ =	shalt  }
0x68: {  	_ =	shalt  }
0x69: {  	_ =	shalt  }
0x6a: {  	_ =	shalt  }
0x6b: {  	_ =	shalt  }
0x6c: {  	_ =	shalt  }
0x6d: {  	_ =	shalt  }
0x6e: {  	_ =	shalt  }
0x6f: {  	_ =	shalt  }
0x70: {  	_ =	shalt  }
0x71: {  	_ =	shalt  }
0x72: {  	_ =	shalt  }
0x73: {  	_ =	shalt  }
0x74: {  	_ =	shalt  }
0x75: {  	_ =	shalt  }
0x76: {  	_ =	shalt  }
0x77: {  	_ =	shalt  }
0x78: {  	_ =	shalt  }
0x79: {  	_ =	shalt  }
0x7a: {  	_ =	shalt  }
0x7b: {  	_ =	shalt  }
0x7c: {  	_ =	shalt  }
0x7d: {  	_ =	shalt  }
0x7e: {  	_ =	shalt  }
0x7f: {  	_ =	shalt  }
0x80: {  	_ =	shalt  }
0x81: {  	_ =	shalt  }
0x82: {  	_ =	shalt  }
0x83: {  	_ =	shalt  }
0x84: {  	_ =	shalt  }
0x85: {  	_ =	shalt  }
0x86: {  	_ =	shalt  }
0x87: {  	_ =	shalt  }
.Lfunc_end0:
.L_simem_size_0:
called_computation_lowered:
.L_overlay_start_0:
0x88: {  	s2 =	sld [smem:$0x3FD9]  }
0x89: {  	s3 =	sld [smem:$0x3FFE];
	_ =	sdelay $0x1  }
0x8a: {  	s1 =	srdreg.scid  }
0x8b: {  	s0 =	sand.u32 $0x1, s1  }
0x8c: {  	s17 =	sshll.u32 s0, $0xA;
	s2 =	sadd.s32 s3, s2  }
0x8d: {  	s2 =	sadd.s32 s2, s17  }
0x8e: {  	[smem:$0x3FC6] =	sst s2  }
0x8f: {  	_ = 	snop  }
0x90: {  	s2 =	sld [smem:$0x3FD0];
	(tm) =	ssettm $0x1  }
0x91: {  	s18 =	sld [smem:$0x3FFB];
	_ =	sdelay $0x3  }
0x92: {  	_ =	strace s18  }
0x93: {  	s3 =	sld [smem:$0x3FFC];
	_ =	sdelay $0x3  }
0x94: {  	_ =	strace s3  }
0x95: {  	s3 =	sld [smem:$0x3FFD];
	_ =	sdelay $0x3  }
0x96: {  	_ =	strace s3  }
0x97: {  	_ =	strace $0x8FFFFFFF  }
0x98: {  	s19 =	sld [smem:$0x3FDB];
	_ =	sdelay $0x1  }
0x99: {  	s4 =	simm.s32 $_scs_section_size  }
0x9a: {  	s5 =	simm.s32 $_size__tile_overlayer_lowered;
	s6 =	simm.s32 $_tile_overlayer_lowered  }
0x9b: {  	s22 =	simm.s32 $0x1BFF;
	s21 =	sshll.u32 s6, $0x1;
	s3 =	sadd.s32 s4, s19  }
0x9c: {  	s7 =	simm.s32 $0x0;
	s20 =	sshll.u32 s5, $0x1;
	s5 =	sadd.s32 s21, s3  }
0x9d: {  	[timem:s7], [sflag:s22] =	dma.local [hbm:s5], s20  }
0x9e: {  	_ =	swait.ge [sflag:s22], s20  }
0x9f: {  	s4 =	ssub.s32 $0x0, s20;
	[sflag:s22] =	ssyncset.done $0x0  }
0xa0: {  	[sflag:s22] =	ssyncadd.s32 s4;
	_ =	sdelay $0x1  }
0xa1: {  	s23 =	simm.s32 $0x1B8B  }
0xa2: {  	_ =	swait.ge [sflag:s23], $0x1  }
0xa3: {  	[sflag:s23] =	ssyncset.done $0x0  }
0xa4: {  	s25 =	simm.s32 $0x1B8E;
	s24 =	sld [smem:$0x3FFE];
	[sflag:s23] =	ssyncadd.s32 $0xFFFFFFFF  }
0xa5: {  	s26 =	simm.s32 $execute0_lowered;
	[smem:$0x3FD2] =	sst s25  }
0xa6: {  	s5 =	sshll.u32 s26, $0x1;
	_ =	strace $0x80000046;
	[dreg:$0x1] =	wrdreg $0xFFFFFFFF  }
0xa7: {  	s28 =	simm.s32 $_size_execute0_lowered;
	s3 =	sadd.s32 s3, s5;
	[dreg:$0x0] =	wrdreg $0x0  }
0xa8: {  	s5 =	sshll.u32 s28, $0x1;
	[dreg:$0x2] =	wrdreg s3  }
0xa9: {  	[dreg:$0x3] =	wrdreg s5  }
0xaa: {  	[dreg:$0x4] =	wrdreg $0xC0  }
0xab: {  	_ =	task [dreg:s7], $0x5FFFF  }
0xac: {  	[dreg:$0x1] =	wrdreg $0xFFFFFFFF  }
0xad: {  	[dreg:$0x0] =	wrdreg $0x60  }
0xae: {  	[dreg:$0x2] =	wrdreg s24  }
0xaf: {  	[dreg:$0x3] =	wrdreg s2  }
0xb0: {  	[dreg:$0x4] =	wrdreg $0x9  }
0xb1: {  	_ =	task.clear_ibuf [dreg:s7], $0x5FFFF;
	_ =	strace $0x90000046  }
0xb2: {  	s29 =	simm.s32 $0x9;
	_ =	strace $0x80000048  }
0xb3: {  	_ =	swait.ge [sflag:s29], $0x1  }
0xb4: {  	[sflag:s29] =	ssyncadd.s32 $0xFFFFFFFF  }
0xb5: {  	_ =	strace $0x90000048  }
0xb6: {  	_ =	sfence  }
0xb7: {  	s30 =	sld [smem:$0x0];
	_ =	sdelay $0x2  }
0xb8: {  	s31 =	sshll.u32 s1, $0xD;
	s1 =	sshrl.u32 s1, $0x2  }
0xb9: {  	s3 =	sand.u32 $0x4000, s31;
	s1 =	sadd.s32 s1, s30  }
0xba: {  	s0 =	sor.u32 s3, s0;
	s1 =	sshll.u32 s1, $0x11  }
0xbb: {  	s0 =	sor.u32 s1, s0  }
0xbc: {  	s0 =	sadd.s32 $0x8F2B, s0  }
0xbd: {  	[sflag:s0] =	ssyncadd.remote.s32 $0x1  }
0xbe: {  	_ =	sfence.sel $0xFFFF  }
0xbf: {  	[dreg:$0x0] =	wrdreg $0xFFFFFFFF;
	(pc) =	sbr.abs _section_cstart, $3  }
0xc0: {  	[dreg:$0x1] =	wrdreg $0xFFFFFFFF  }
0xc1: {  	_ =	task.clear_ibuf [dreg:s7], $0x2FFFF;
	_ =	strace $0x9FFFFFFF  }
0xc2: {  	(tm) =	ssettm $0x7FFFFFFF  }
0xc3: {  	_ =	shalt  }
tec
execute0_lowered:
.L_overlay_start_1:
0x0: {  	(tag) =	ssettag $0x1  }
0x1: {  	v2 =	vlaneseq.u32  }
0x2: {  	s5 =	rddreg [dreg:$0x0];
	v25 =	vmul.u32 $0x48, v2  }
0x3: {  	s1 =	rddreg [dreg:$0x1];
	s2 =	simm.s32 $0x0  }
0x4: {  	[smem:$0x7FF] =	sst s2;
	v0 =	vor.u32 $0x1, v25  }
0x5: {  	s0 =	rddreg [dreg:$0x2];
	_ =	strace $0x80000047;
	v4 =	vadd.s32 $0x26, v25;
	[tilespmem:$0x1FEB0] =	vst v0  }
0x6: {  	v5 =	vadd.s32 $0x27, v25;
	[tilespmem:$0x1FEC0] =	vst v4  }
0x7: {  	v3 =	vimm.f32 $0.0e+00;
	v1 =	vmul.u32 $0x1A, v2;
	v6 =	vadd.s32 $0x28, v25;
	[tilespmem:$0x1FED0] =	vst v5  }
0x8: {  	v2 =	vmul.u32 $0x20, v2;
	v24 =	vor.u32 $0x2, v25;
	v7 =	vadd.s32 $0x29, v25;
	[tilespmem:$0x1FEE0] =	vst v6  }
0x9: {  	v26 =	vor.u32 $0x3, v25;
	v27 =	vor.u32 $0x4, v25;
	v8 =	vadd.s32 $0x2A, v25;
	[tilespmem:$0x1FEF0] =	vst v7  }
0xa: {  	v28 =	vor.u32 $0x5, v25;
	v29 =	vor.u32 $0x6, v25;
	v9 =	vadd.s32 $0x2B, v25;
	[tilespmem:$0x1FF00] =	vst v8  }
0xb: {  	v30 =	vor.u32 $0x7, v25;
	v31 =	vadd.s32 $0x8, v25;
	v10 =	vadd.s32 $0x2C, v25;
	[tilespmem:$0x1FF10] =	vst v9  }
0xc: {  	v32 =	vadd.s32 $0x9, v25;
	v33 =	vadd.s32 $0xA, v25;
	v11 =	vadd.s32 $0x2D, v25;
	[tilespmem:$0x1FF20] =	vst v10  }
0xd: {  	v34 =	vadd.s32 $0xB, v25;
	v35 =	vadd.s32 $0xC, v25;
	v12 =	vadd.s32 $0x2E, v25;
	[tilespmem:$0x1FF30] =	vst v11  }
0xe: {  	v36 =	vadd.s32 $0xD, v25;
	v37 =	vadd.s32 $0xE, v25;
	v13 =	vadd.s32 $0x2F, v25;
	[tilespmem:$0x1FF40] =	vst v12  }
0xf: {  	v38 =	vadd.s32 $0xF, v25;
	v39 =	vadd.s32 $0x10, v25;
	v14 =	vadd.s32 $0x30, v25;
	[tilespmem:$0x1FF50] =	vst v13  }
0x10: {  	v40 =	vadd.s32 $0x11, v25;
	v41 =	vadd.s32 $0x12, v25;
	v15 =	vadd.s32 $0x31, v25;
	[tilespmem:$0x1FF60] =	vst v14  }
0x11: {  	v42 =	vadd.s32 $0x13, v25;
	v43 =	vadd.s32 $0x14, v25;
	v16 =	vadd.s32 $0x32, v25;
	[tilespmem:$0x1FF70] =	vst v15  }
0x12: {  	v44 =	vadd.s32 $0x15, v25;
	v45 =	vadd.s32 $0x16, v25;
	v17 =	vadd.s32 $0x33, v25;
	[tilespmem:$0x1FF80] =	vst v16  }
0x13: {  	v46 =	vadd.s32 $0x17, v25;
	v47 =	vadd.s32 $0x18, v25;
	v18 =	vadd.s32 $0x34, v25;
	[tilespmem:$0x1FF90] =	vst v17  }
0x14: {  	s3 =	srdreg.scid;
	s9 =	simm.s32 $0x680;
	s10 =	simm.s32 $0xD00;
	v48 =	vadd.s32 $0x19, v25;
	v49 =	vadd.s32 $0x1A, v25;
	v19 =	vadd.s32 $0x35, v25;
	[tilespmem:$0x1FFA0] =	vst v18  }
0x15: {  	s11 =	simm.s32 $0x1;
	s12 =	simm.s32 $0xDD00;
	s6 =	sand.u32 $0x1, s3;
	v50 =	vadd.s32 $0x1B, v25;
	v51 =	vadd.s32 $0x1C, v25;
	v20 =	vadd.s32 $0x36, v25;
	[tilespmem:$0x1FFB0] =	vst v19  }
0x16: {  	s13 =	simm.s32 $0x0;
	s4 =	sadd.s32 $0xF42A00, s5;
	s7 =	ssub.s32 $0x2, s6;
	v52 =	vadd.s32 $0x1D, v25;
	v53 =	vadd.s32 $0x1E, v25;
	v21 =	vadd.s32 $0x37, v25;
	[tilespmem:$0x1FFC0] =	vst v20  }
0x17: {  	s3 =	stileid.u32;
	s5 =	sadd.s32 $0x600, s5;
	v54 =	vadd.s32 $0x1F, v25;
	v55 =	vadd.s32 $0x20, v25;
	s8 =	sshrl.u32 s7, $0x1;
	v22 =	vadd.s32 $0x38, v25;
	[tilespmem:$0x1FFD0] =	vst v21  }
0x18: {  	s31 =	sshll.u32 s3, $0xA;
	s6 =	sshll.u32 s6, $0x9;
	v56 =	vadd.s32 $0x21, v25;
	v57 =	vadd.s32 $0x22, v25;
	v23 =	vadd.s32 $0x39, v25;
	s7 =	ssub.s32 s7, s8;
	[tilespmem:$0x1FFE0] =	vst v22  }
0x19: {  	v58 =	vadd.s32 $0x23, v25;
	v59 =	vadd.s32 $0x24, v25;
	v60 =	vadd.s32 $0x25, v25;
	s6 =	sor.u32 s6, s31;
	s8 =	simm.s32 $0x2;
	[tilespmem:$0x1FFF0] =	vst v23;
	s7 =	smax.u32 s7, $0x1  }
.LBB2_1:
0x1a: {  	s14 =	simm.s32 $0x0  }
.LBB2_2:
0x1b: {  	s15 =	sshll.u32 s14, $0x6  }
0x1c: {  	s16 =	simm.s32 $0x0;
	s15 =	sadd.s32 s6, s15  }
0x1d: {  	s18 =	sand.u32 $0x3, s16;
	s17 =	smul.u32 $0x1A, s15  }
0x1e: {  	s19 =	smul.u32 $0x1A0, s18;
	_ =	sdelay $0x1  }
0x1f: {  	s17 =	sshrl.u32 s17, $0x3;
	s19 =	sadd.s32 $0x0, s19  }
0x20: {  	s17 =	sadd.s32 s1, s17;
	v62 =	vadd.s32 s19, v1  }
0x21: {  	[tilespmem:s16], [sflag:$0x2] =	stream.linear.gather [hbm4b:s17+s16], $0x680, $0x38;
	[tilespmem:$0x1C700] =	vst v63  }
0x22: {  	_ =	swait.ge [sflag:s8], $0x680  }
0x23: {  	[sflag:s8] =	ssyncset.done $0x0  }
0x24: {  	s17 =	simm.s32 $0x1;
	[sflag:s8] =	ssyncadd.s32 $0xFFFFF980  }
0x25: {  	v61 =	vimm.s32 $0xF4240;
	s20 =	simm.s32 $0x2;
	s19 =	sand.u32 $0x3, s17;
	v62 =	vld.idx.msk [tilespmem:v62+s2+$0x0], $0xffff  }
.LBB2_3:
0x26: {  	p0 =	sne.s32 s20, $0x67;
	s21 =	smul.u32 $0x1A0, s19  }
0x27: {  	s22 =	sshrl.u32 s17, $0x2  }
0x28: {  	s21 =	sadd.s32 s22, s21  }
0x29: {  	v63 =	vadd.s32 s21, v1  }
0x2a: {  	vm0 =	vgt.s32 v62, $0x1;
	s21 =	sshll.u32 s16, $0x4;
	vm1 =	vlt.s32 v61, v62;
	s16 =	smov.u32 s17;
	s17 =	smov.u32 s20  }
.Ltmp0:
0x2b: {  	s18 =	sshll.u32 s18, $0x4;
	v4 =	vnsel vm0, $0x1, v62;
	s21 =	sand.u32 $0x3FFFFFC0, s21;
	v61 =	vsel vm1, v61, v62;
	(pc) =	sbr.rel @p0 .LBB2_3-.Ltmp0, $4  }
0x2c: {  	v4 =	vadd.s32 $0xFFFFFFFF, v4;
	s21 =	sor.u32 s18, s21;
	s18 =	smov.u32 s19  }
0x2d: {  	[tilespmem:s21+$0x680] =	vst v4  }
0x2e: {  	v62 =	vld.idx.msk [tilespmem:v63+s2+$0x0], $0xffff  }
0x2f: {  	s20 =	sadd.s32 $0x1, s20;
	s19 =	sand.u32 $0x3, s17  }
0x30: {  	s20 =	smul.u32 $0x1A0, s19  }
0x31: {  	s21 =	sshrl.u32 s17, $0x2  }
0x32: {  	s20 =	sadd.s32 s21, s20  }
0x33: {  	v4 =	vadd.s32 s20, v1  }
0x34: {  	s16 =	sshll.u32 s16, $0x4;
	vm0 =	vgt.s32 v62, $0x1  }
0x35: {  	s18 =	sshll.u32 s18, $0x4;
	s16 =	sand.u32 $0x3FFFFFC0, s16;
	v63 =	vnsel vm0, $0x1, v62  }
0x36: {  	s16 =	sor.u32 s18, s16;
	v63 =	vadd.s32 $0xFFFFFFFF, v63  }
0x37: {  	[tilespmem:s16+$0x680] =	vst v63  }
0x38: {  	v4 =	vld.idx.msk [tilespmem:v4+s2+$0x0], $0xffff;
	_ =	sdelay $0x4  }
0x39: {  	s30 =	sshll.u32 s17, $0x4;
	vm14 =	vgt.s32 v4, $0x1  }
0x3a: {  	s31 =	sshll.u32 s19, $0x4;
	s16 =	sand.u32 $0x3FFFFFC0, s30;
	v23 =	vnsel vm14, $0x1, v4  }
0x3b: {  	vm15 =	vlt.s32 v61, v62;
	s16 =	sor.u32 s31, s16;
	v63 =	vadd.s32 $0xFFFFFFFF, v23  }
0x3c: {  	v61 =	vsel vm15, v61, v62;
	[tilespmem:s16+$0x680] =	vst v63  }
0x3d: {  	vm0 =	vlt.s32 v61, v4;
	[tilespmem:s10], [sflag:$0x1] =	stream.indirect.gather [hbm4b:s4+s9], $0x20, s9, s9, $0xb8;
	[tilespmem:$0x1C700] =	vst v63  }
0x3e: {  	v4 =	vsel vm0, v61, v4;
	_ =	swait.ge [sflag:s11], $0xD000  }
0x3f: {  	(v2sf) =	vpush v4, $0x0  }
0x40: {  	(v2sf) =	vpush v4, $0x1;
	_ =	sdelay $0x1  }
0x41: {  	(v2sf) =	vpush v4, $0x2;
	_ =	sdelay $0x1  }
0x42: {  	(v2sf) =	vpush v4, $0x3;
	_ =	sdelay $0x1  }
0x43: {  	(v2sf) =	vpush v4, $0x4;
	_ =	sdelay $0x1  }
0x44: {  	(v2sf) =	vpush v4, $0x5;
	_ =	sdelay $0x1  }
0x45: {  	(v2sf) =	vpush v4, $0x6;
	_ =	sdelay $0x1  }
0x46: {  	(v2sf) =	vpush v4, $0x7;
	_ =	sdelay $0x1  }
0x47: {  	s16 =	spop (v2sf);
	(v2sf) =	vpush v4, $0x8  }
0x48: {  	s17 =	spop (v2sf)  }
0x49: {  	(v2sf) =	vpush v4, $0x9;
	p0 =	slt.s32 s16, s17  }
0x4a: {  	s17 =	smov.u32 @p0 s16;
	s16 =	spop (v2sf)  }
0x4b: {  	(v2sf) =	vpush v4, $0xA;
	p0 =	slt.s32 s17, s16  }
0x4c: {  	s16 =	smov.u32 @p0 s17;
	s17 =	spop (v2sf)  }
0x4d: {  	(v2sf) =	vpush v4, $0xB;
	p0 =	slt.s32 s16, s17  }
0x4e: {  	s17 =	smov.u32 @p0 s16;
	s16 =	spop (v2sf)  }
0x4f: {  	(v2sf) =	vpush v4, $0xC;
	p0 =	slt.s32 s17, s16  }
0x50: {  	s16 =	smov.u32 @p0 s17;
	s17 =	spop (v2sf)  }
0x51: {  	(v2sf) =	vpush v4, $0xD;
	p0 =	slt.s32 s16, s17  }
0x52: {  	s17 =	smov.u32 @p0 s16;
	s16 =	spop (v2sf)  }
0x53: {  	(v2sf) =	vpush v4, $0xE;
	p0 =	slt.s32 s17, s16  }
0x54: {  	s16 =	smov.u32 @p0 s17;
	s17 =	spop (v2sf)  }
0x55: {  	(v2sf) =	vpush v4, $0xF;
	p0 =	slt.s32 s16, s17  }
0x56: {  	s18 =	spop (v2sf);
	s17 =	smov.u32 @p0 s16  }
0x57: {  	p0 =	slt.s32 s17, s18  }
0x58: {  	s16 =	spop (v2sf);
	s18 =	smov.u32 @p0 s17  }
0x59: {  	p0 =	slt.s32 s18, s16  }
0x5a: {  	s17 =	spop (v2sf);
	s16 =	smov.u32 @p0 s18  }
0x5b: {  	p0 =	slt.s32 s16, s17  }
0x5c: {  	s18 =	spop (v2sf);
	s17 =	smov.u32 @p0 s16  }
0x5d: {  	p0 =	slt.s32 s17, s18  }
0x5e: {  	s16 =	spop (v2sf);
	s18 =	smov.u32 @p0 s17  }
0x5f: {  	p0 =	slt.s32 s18, s16  }
0x60: {  	s17 =	spop (v2sf);
	s16 =	smov.u32 @p0 s18  }
0x61: {  	p0 =	slt.s32 s16, s17  }
0x62: {  	s18 =	spop (v2sf);
	s17 =	smov.u32 @p0 s16  }
0x63: {  	p0 =	slt.s32 s17, s18  }
0x64: {  	s16 =	spop (v2sf);
	s18 =	smov.u32 @p0 s17  }
0x65: {  	p0 =	slt.s32 s18, s16  }
0x66: {  	s16 =	smov.u32 @p0 s18  }
0x67: {  	p0 =	sne.s32 s16, $0x0  }
.Ltmp1:
0x68: {  	_ = 	snop;
	(pc) =	sbr.rel @p0 .LBB2_8-.Ltmp1, $3  }
0x69: {  	_ =	sdelay $0x1  }
0x6a: {  	[sflag:s11] =	ssyncset.done $0x0  }
0x6b: {  	[sflag:s11] =	ssyncadd.s32 $0xFFFF3000  }
0x6c: {  	s16 =	simm.s32 $0x0  }
0x6d: {  	s16 =	sand.u32 $0x3, s16  }
0x6e: {  	s17 =	smul.u32 $0x1A0, s16;
	_ =	sdelay $0x1  }
0x6f: {  	s17 =	sadd.s32 $0x0, s17  }
0x70: {  	v4 =	vadd.s32 s17, v1;
	_ =	sdelay $0x4  }
0x71: {  	v4 =	vld.idx.msk [tilespmem:v4+s2+$0x0], $0xffff;
	_ =	sdelay $0x1  }
0x72: {  	s29 =	simm.s32 $0x0;
	s16 =	sshll.u32 s16, $0x4  }
0x73: {  	s16 =	sor.u32 s16, s29  }
0x74: {  	v61 =	vmov s16  }
0x75: {  	v61 =	vshll.u32 v61, $0x5;
	vm0 =	veq.s32 v4, $0x0  }
0x76: {  	v4 =	vor.u32 v2, v61  }
0x77: {  	v61 =	vor.u32 $0x1, v4  }
0x78: {  	v62 =	vor.u32 $0x2, v4  }
0x79: {  	v63 =	vor.u32 $0x3, v4  }
0x7a: {  	v5 =	vor.u32 $0x4, v4  }
0x7b: {  	v6 =	vor.u32 $0x5, v4;
	[tilespmem:v4+s10+$0x0] =	vst.idx.msk vm0, v3  }
0x7c: {  	v19 =	vor.u32 $0x6, v4;
	[tilespmem:v61+s10+$0x0] =	vst.idx.msk vm0, v3  }
0x7d: {  	v20 =	vor.u32 $0x7, v4;
	[tilespmem:v62+s10+$0x0] =	vst.idx.msk vm0, v3  }
0x7e: {  	v21 =	vor.u32 $0x8, v4;
	[tilespmem:v63+s10+$0x0] =	vst.idx.msk vm0, v3  }
0x7f: {  	[tilespmem:v5+s10+$0x0] =	vst.idx.msk vm0, v3;
	v5 =	vor.u32 $0x9, v4  }
0x80: {  	v22 =	vor.u32 $0xA, v4;
	[tilespmem:v6+s10+$0x0] =	vst.idx.msk vm0, v3  }
0x81: {  	v23 =	vor.u32 $0xB, v4;
	[tilespmem:v19+s10+$0x0] =	vst.idx.msk vm0, v3  }
0x82: {  	v9 =	vor.u32 $0xC, v4;
	[tilespmem:v20+s10+$0x0] =	vst.idx.msk vm0, v3  }
0x83: {  	v10 =	vor.u32 $0xD, v4;
	[tilespmem:v21+s10+$0x0] =	vst.idx.msk vm0, v3  }
0x84: {  	[tilespmem:v5+s10+$0x0] =	vst.idx.msk vm0, v3;
	v5 =	vor.u32 $0xE, v4  }
0x85: {  	v11 =	vor.u32 $0xF, v4;
	[tilespmem:v22+s10+$0x0] =	vst.idx.msk vm0, v3  }
0x86: {  	v12 =	vor.u32 $0x10, v4;
	[tilespmem:v23+s10+$0x0] =	vst.idx.msk vm0, v3  }
0x87: {  	v13 =	vor.u32 $0x11, v4;
	[tilespmem:v9+s10+$0x0] =	vst.idx.msk vm0, v3  }
0x88: {  	v14 =	vor.u32 $0x12, v4;
	[tilespmem:v10+s10+$0x0] =	vst.idx.msk vm0, v3  }
0x89: {  	[tilespmem:v5+s10+$0x0] =	vst.idx.msk vm0, v3;
	v5 =	vor.u32 $0x13, v4  }
0x8a: {  	v15 =	vor.u32 $0x14, v4;
	[tilespmem:v11+s10+$0x0] =	vst.idx.msk vm0, v3  }
0x8b: {  	v16 =	vor.u32 $0x15, v4;
	[tilespmem:v12+s10+$0x0] =	vst.idx.msk vm0, v3  }
0x8c: {  	v17 =	vor.u32 $0x16, v4;
	[tilespmem:v13+s10+$0x0] =	vst.idx.msk vm0, v3  }
0x8d: {  	v18 =	vor.u32 $0x17, v4;
	[tilespmem:v14+s10+$0x0] =	vst.idx.msk vm0, v3  }
0x8e: {  	v7 =	vor.u32 $0x18, v4;
	[tilespmem:v5+s10+$0x0] =	vst.idx.msk vm0, v3  }
0x8f: {  	v5 =	vor.u32 $0x19, v4;
	[tilespmem:v15+s10+$0x0] =	vst.idx.msk vm0, v3  }
0x90: {  	v19 =	vor.u32 $0x1A, v4;
	[tilespmem:v16+s10+$0x0] =	vst.idx.msk vm0, v3  }
0x91: {  	s30 =	simm.s32 $0x1;
	v20 =	vor.u32 $0x1B, v4;
	[tilespmem:v17+s10+$0x0] =	vst.idx.msk vm0, v3  }
0x92: {  	s16 =	sand.u32 $0x3, s30;
	v21 =	vor.u32 $0x1C, v4;
	[tilespmem:v18+s10+$0x0] =	vst.idx.msk vm0, v3  }
0x93: {  	s31 =	smul.u32 $0x1A0, s16;
	v22 =	vor.u32 $0x1D, v4;
	[tilespmem:v7+s10+$0x0] =	vst.idx.msk vm0, v3  }
0x94: {  	[tilespmem:v5+s10+$0x0] =	vst.idx.msk vm0, v3;
	v5 =	vor.u32 $0x1E, v4  }
0x95: {  	s17 =	sadd.s32 $0x0, s31;
	v63 =	vor.u32 $0x1F, v4;
	[tilespmem:v19+s10+$0x0] =	vst.idx.msk vm0, v3  }
0x96: {  	s18 =	simm.s32 $0x0;
	s16 =	sshll.u32 s16, $0x4;
	v62 =	vadd.s32 s17, v1;
	[tilespmem:v20+s10+$0x0] =	vst.idx.msk vm0, v3  }
0x97: {  	s16 =	sor.u32 s16, s18;
	[tilespmem:v21+s10+$0x0] =	vst.idx.msk vm0, v3  }
0x98: {  	v23 =	vmov s16;
	[tilespmem:v22+s10+$0x0] =	vst.idx.msk vm0, v3  }
0x99: {  	s16 =	simm.s32 $0x2;
	v61 =	vshll.u32 v23, $0x5;
	[tilespmem:v5+s10+$0x0] =	vst.idx.msk vm0, v3  }
.LBB2_6:
0x9a: {  	p0 =	sne.s32 s16, $0x67;
	[tilespmem:v63+s10+$0x0] =	vst.idx.msk vm0, v3;
	s17 =	smov.u32 s16;
	s16 =	sadd.s32 $0x1, s16  }
0x9b: {  	v4 =	vld.idx.msk [tilespmem:v62+s2+$0x0], $0xffff;
	_ =	sdelay $0x5  }
0x9c: {  	vm0 =	veq.s32 v4, $0x0  }
0x9d: {  	v4 =	vor.u32 v2, v61  }
0x9e: {  	v61 =	vor.u32 $0x1, v4  }
0x9f: {  	v62 =	vor.u32 $0x2, v4  }
0xa0: {  	v63 =	vor.u32 $0x3, v4  }
0xa1: {  	v5 =	vor.u32 $0x4, v4  }
0xa2: {  	v6 =	vor.u32 $0x5, v4;
	[tilespmem:v4+s10+$0x0] =	vst.idx.msk vm0, v3  }
0xa3: {  	[tilespmem:v61+s10+$0x0] =	vst.idx.msk vm0, v3;
	v61 =	vor.u32 $0x6, v4  }
0xa4: {  	[tilespmem:v62+s10+$0x0] =	vst.idx.msk vm0, v3;
	v62 =	vor.u32 $0x7, v4  }
0xa5: {  	[tilespmem:v63+s10+$0x0] =	vst.idx.msk vm0, v3;
	v63 =	vor.u32 $0x8, v4  }
0xa6: {  	[tilespmem:v5+s10+$0x0] =	vst.idx.msk vm0, v3;
	v5 =	vor.u32 $0x9, v4  }
0xa7: {  	[tilespmem:v6+s10+$0x0] =	vst.idx.msk vm0, v3;
	v6 =	vor.u32 $0xA, v4  }
0xa8: {  	[tilespmem:v61+s10+$0x0] =	vst.idx.msk vm0, v3;
	v61 =	vor.u32 $0xB, v4  }
0xa9: {  	[tilespmem:v62+s10+$0x0] =	vst.idx.msk vm0, v3;
	v62 =	vor.u32 $0xC, v4  }
0xaa: {  	[tilespmem:v63+s10+$0x0] =	vst.idx.msk vm0, v3;
	v63 =	vor.u32 $0xD, v4  }
0xab: {  	[tilespmem:v5+s10+$0x0] =	vst.idx.msk vm0, v3;
	v5 =	vor.u32 $0xE, v4  }
0xac: {  	[tilespmem:v6+s10+$0x0] =	vst.idx.msk vm0, v3;
	v6 =	vor.u32 $0xF, v4  }
0xad: {  	[tilespmem:v61+s10+$0x0] =	vst.idx.msk vm0, v3;
	v61 =	vor.u32 $0x10, v4  }
0xae: {  	[tilespmem:v62+s10+$0x0] =	vst.idx.msk vm0, v3;
	v62 =	vor.u32 $0x11, v4  }
0xaf: {  	[tilespmem:v63+s10+$0x0] =	vst.idx.msk vm0, v3;
	v63 =	vor.u32 $0x12, v4  }
0xb0: {  	[tilespmem:v5+s10+$0x0] =	vst.idx.msk vm0, v3;
	v5 =	vor.u32 $0x13, v4  }
0xb1: {  	[tilespmem:v6+s10+$0x0] =	vst.idx.msk vm0, v3;
	v6 =	vor.u32 $0x14, v4  }
0xb2: {  	[tilespmem:v61+s10+$0x0] =	vst.idx.msk vm0, v3;
	v61 =	vor.u32 $0x15, v4  }
0xb3: {  	[tilespmem:v62+s10+$0x0] =	vst.idx.msk vm0, v3;
	v62 =	vor.u32 $0x16, v4  }
0xb4: {  	[tilespmem:v63+s10+$0x0] =	vst.idx.msk vm0, v3;
	v63 =	vor.u32 $0x17, v4  }
0xb5: {  	[tilespmem:v5+s10+$0x0] =	vst.idx.msk vm0, v3;
	v5 =	vor.u32 $0x18, v4  }
0xb6: {  	[tilespmem:v6+s10+$0x0] =	vst.idx.msk vm0, v3;
	v6 =	vor.u32 $0x19, v4  }
0xb7: {  	[tilespmem:v61+s10+$0x0] =	vst.idx.msk vm0, v3;
	v61 =	vor.u32 $0x1A, v4  }
0xb8: {  	v7 =	vor.u32 $0x1B, v4;
	[tilespmem:v62+s10+$0x0] =	vst.idx.msk vm0, v3  }
0xb9: {  	s18 =	sshrl.u32 s17, $0x2;
	s17 =	sand.u32 $0x3, s17;
	v8 =	vor.u32 $0x1C, v4;
	[tilespmem:v63+s10+$0x0] =	vst.idx.msk vm0, v3  }
0xba: {  	s19 =	smul.u32 $0x1A0, s17;
	s20 =	sshll.u32 s18, $0x6;
	s17 =	sshll.u32 s17, $0x4;
	[tilespmem:v5+s10+$0x0] =	vst.idx.msk vm0, v3;
	v5 =	vor.u32 $0x1D, v4  }
0xbb: {  	s17 =	sor.u32 s17, s20;
	[tilespmem:v6+s10+$0x0] =	vst.idx.msk vm0, v3;
	v6 =	vor.u32 $0x1E, v4  }
.Ltmp2:
0xbc: {  	s18 =	sadd.s32 s18, s19;
	v9 =	vmov s17;
	v63 =	vor.u32 $0x1F, v4;
	[tilespmem:v61+s10+$0x0] =	vst.idx.msk vm0, v3;
	(pc) =	sbr.rel @p0 .LBB2_6-.Ltmp2, $4  }
0xbd: {  	v62 =	vadd.s32 s18, v1;
	v61 =	vshll.u32 v9, $0x5;
	[tilespmem:v7+s10+$0x0] =	vst.idx.msk vm0, v3  }
0xbe: {  	[tilespmem:v8+s10+$0x0] =	vst.idx.msk vm0, v3  }
0xbf: {  	[tilespmem:v5+s10+$0x0] =	vst.idx.msk vm0, v3  }
0xc0: {  	[tilespmem:v6+s10+$0x0] =	vst.idx.msk vm0, v3  }
0xc1: {  	_ =	sdelay $0x4  }
0xc2: {  	[tilespmem:v63+s10+$0x0] =	vst.idx.msk vm0, v3  }
0xc3: {  	v4 =	vld.idx.msk [tilespmem:v62+s2+$0x0], $0xffff;
	_ =	sdelay $0x4  }
0xc4: {  	vm15 =	veq.s32 v4, $0x0  }
0xc5: {  	v4 =	vor.u32 v2, v61  }
0xc6: {  	v5 =	vor.u32 $0x1, v4  }
0xc7: {  	v6 =	vor.u32 $0x2, v4  }
0xc8: {  	v7 =	vor.u32 $0x3, v4  }
0xc9: {  	v8 =	vor.u32 $0x4, v4  }
0xca: {  	v9 =	vor.u32 $0x5, v4;
	[tilespmem:v4+s10+$0x0] =	vst.idx.msk vm15, v3  }
0xcb: {  	[tilespmem:v5+s10+$0x0] =	vst.idx.msk vm15, v3;
	v5 =	vor.u32 $0x6, v4  }
0xcc: {  	v22 =	vor.u32 $0x7, v4;
	[tilespmem:v6+s10+$0x0] =	vst.idx.msk vm15, v3  }
0xcd: {  	v23 =	vor.u32 $0x8, v4;
	[tilespmem:v7+s10+$0x0] =	vst.idx.msk vm15, v3  }
0xce: {  	v61 =	vor.u32 $0x9, v4;
	[tilespmem:v8+s10+$0x0] =	vst.idx.msk vm15, v3  }
0xcf: {  	v62 =	vor.u32 $0xA, v4;
	[tilespmem:v9+s10+$0x0] =	vst.idx.msk vm15, v3  }
0xd0: {  	[tilespmem:v5+s10+$0x0] =	vst.idx.msk vm15, v3;
	v5 =	vor.u32 $0xB, v4  }
0xd1: {  	v63 =	vor.u32 $0xC, v4;
	[tilespmem:v22+s10+$0x0] =	vst.idx.msk vm15, v3  }
0xd2: {  	v12 =	vor.u32 $0xD, v4;
	[tilespmem:v23+s10+$0x0] =	vst.idx.msk vm15, v3  }
0xd3: {  	v13 =	vor.u32 $0xE, v4;
	[tilespmem:v61+s10+$0x0] =	vst.idx.msk vm15, v3  }
0xd4: {  	v14 =	vor.u32 $0xF, v4;
	[tilespmem:v62+s10+$0x0] =	vst.idx.msk vm15, v3  }
0xd5: {  	[tilespmem:v5+s10+$0x0] =	vst.idx.msk vm15, v3;
	v5 =	vor.u32 $0x10, v4  }
0xd6: {  	v15 =	vor.u32 $0x11, v4;
	[tilespmem:v63+s10+$0x0] =	vst.idx.msk vm15, v3  }
0xd7: {  	v16 =	vor.u32 $0x12, v4;
	[tilespmem:v12+s10+$0x0] =	vst.idx.msk vm15, v3  }
0xd8: {  	v17 =	vor.u32 $0x13, v4;
	[tilespmem:v13+s10+$0x0] =	vst.idx.msk vm15, v3  }
0xd9: {  	v18 =	vor.u32 $0x14, v4;
	[tilespmem:v14+s10+$0x0] =	vst.idx.msk vm15, v3  }
0xda: {  	[tilespmem:v5+s10+$0x0] =	vst.idx.msk vm15, v3;
	v5 =	vor.u32 $0x15, v4  }
0xdb: {  	v19 =	vor.u32 $0x16, v4;
	[tilespmem:v15+s10+$0x0] =	vst.idx.msk vm15, v3  }
0xdc: {  	v20 =	vor.u32 $0x17, v4;
	[tilespmem:v16+s10+$0x0] =	vst.idx.msk vm15, v3  }
0xdd: {  	v21 =	vor.u32 $0x18, v4;
	[tilespmem:v17+s10+$0x0] =	vst.idx.msk vm15, v3  }
0xde: {  	v22 =	vor.u32 $0x19, v4;
	[tilespmem:v18+s10+$0x0] =	vst.idx.msk vm15, v3  }
0xdf: {  	[tilespmem:v5+s10+$0x0] =	vst.idx.msk vm15, v3;
	v5 =	vor.u32 $0x1A, v4  }
0xe0: {  	v23 =	vor.u32 $0x1B, v4;
	[tilespmem:v19+s10+$0x0] =	vst.idx.msk vm15, v3  }
0xe1: {  	v61 =	vor.u32 $0x1C, v4;
	[tilespmem:v20+s10+$0x0] =	vst.idx.msk vm15, v3  }
0xe2: {  	v62 =	vor.u32 $0x1D, v4;
	[tilespmem:v21+s10+$0x0] =	vst.idx.msk vm15, v3  }
0xe3: {  	v63 =	vor.u32 $0x1E, v4;
	[tilespmem:v22+s10+$0x0] =	vst.idx.msk vm15, v3  }
0xe4: {  	v4 =	vor.u32 $0x1F, v4;
	[tilespmem:v5+s10+$0x0] =	vst.idx.msk vm15, v3  }
0xe5: {  	[tilespmem:v23+s10+$0x0] =	vst.idx.msk vm15, v3  }
0xe6: {  	[tilespmem:v61+s10+$0x0] =	vst.idx.msk vm15, v3  }
0xe7: {  	[tilespmem:v62+s10+$0x0] =	vst.idx.msk vm15, v3  }
0xe8: {  	[tilespmem:v63+s10+$0x0] =	vst.idx.msk vm15, v3  }
0xe9: {  	[tilespmem:v4+s10+$0x0] =	vst.idx.msk vm15, v3  }
.LBB2_8:
0xea: {  	s16 =	simm.s32 $0x10;
	s17 =	simm.s32 $0x1100  }
.LBB2_9:
0xeb: {  	v4 =	vld [tilespmem:s17+$0xFFFFFC00]  }
0xec: {  	v5 =	vld [tilespmem:s17+$0xFFFFFC10]  }
0xed: {  	v6 =	vld [tilespmem:s17+$0xFFFFFC20]  }
0xee: {  	v7 =	vld [tilespmem:s17+$0xFFFFFC30];
	s18 =	sadd.s32 $0xFFFFFFF0, s16  }
0xef: {  	v8 =	vld [tilespmem:s17+$0xFFFFFC40];
	v61 =	vmov s18  }
0xf0: {  	v9 =	vld [tilespmem:s17+$0xFFFFFC50];
	v61 =	vmul.u32 $0x48, v61  }
0xf1: {  	v63 =	vld [tilespmem:s17+$0xFFFFFC60]  }
0xf2: {  	v62 =	vmov s16;
	v10 =	vld [tilespmem:s17+$0xFFFFFC70];
	v61 =	vbroadcast v61, $0x0  }
0xf3: {  	v11 =	vld [tilespmem:s17+$0xFFFFFC80];
	v62 =	vmul.u32 $0x48, v62  }
0xf4: {  	v19 =	vadd.s32 v0, v61;
	v0 =	vld [tilespmem:$0x1FEB0]  }
0xf5: {  	v12 =	vld [tilespmem:s17+$0xFFFFFC90];
	v62 =	vbroadcast v62, $0x0  }
0xf6: {  	v13 =	vld [tilespmem:s17+$0xFFFFFCA0];
	v15 =	vadd.s32 v25, v61  }
0xf7: {  	v14 =	vld [tilespmem:s17+$0xFFFFFCB0];
	v17 =	vadd.s32 v25, v62  }
0xf8: {  	v16 =	vld [tilespmem:s17+$0xFFFFFCC0]  }
0xf9: {  	v18 =	vld [tilespmem:s17+$0xFFFFFCD0];
	v21 =	vadd.s32 v0, v62  }
0xfa: {  	v20 =	vld [tilespmem:s17+$0xFFFFFCE0];
	v23 =	vadd.s32 v24, v61  }
0xfb: {  	v22 =	vld [tilespmem:s17+$0xFFFFFCF0];
	[tilespmem:v15+s12+$0x0] =	vst.idx.msk $0xffff, v4;
	v4 =	vadd.s32 v24, v62  }
0xfc: {  	[tilespmem:v17+s12+$0x0] =	vst.idx.msk $0xffff, v5;
	v5 =	vadd.s32 v26, v61  }
0xfd: {  	[tilespmem:v19+s12+$0x0] =	vst.idx.msk $0xffff, v6;
	v19 =	vadd.s32 v26, v62  }
0xfe: {  	[tilespmem:v21+s12+$0x0] =	vst.idx.msk $0xffff, v7;
	v21 =	vadd.s32 v27, v61  }
0xff: {  	[tilespmem:v23+s12+$0x0] =	vst.idx.msk $0xffff, v8;
	v23 =	vadd.s32 v27, v62  }
0x100: {  	[tilespmem:v4+s12+$0x0] =	vst.idx.msk $0xffff, v9;
	v4 =	vadd.s32 v28, v61  }
0x101: {  	[tilespmem:v5+s12+$0x0] =	vst.idx.msk $0xffff, v63;
	v5 =	vadd.s32 v28, v62  }
0x102: {  	v63 =	vadd.s32 v29, v61;
	[tilespmem:v19+s12+$0x0] =	vst.idx.msk $0xffff, v10  }
0x103: {  	v15 =	vadd.s32 v29, v62;
	[tilespmem:v21+s12+$0x0] =	vst.idx.msk $0xffff, v11  }
0x104: {  	v17 =	vadd.s32 v30, v61;
	[tilespmem:v23+s12+$0x0] =	vst.idx.msk $0xffff, v12  }
0x105: {  	[tilespmem:v4+s12+$0x0] =	vst.idx.msk $0xffff, v13;
	v4 =	vadd.s32 v30, v62  }
0x106: {  	[tilespmem:v5+s12+$0x0] =	vst.idx.msk $0xffff, v14  }
0x107: {  	[tilespmem:v63+s12+$0x0] =	vst.idx.msk $0xffff, v16  }
0x108: {  	[tilespmem:v15+s12+$0x0] =	vst.idx.msk $0xffff, v18  }
0x109: {  	[tilespmem:v17+s12+$0x0] =	vst.idx.msk $0xffff, v20  }
0x10a: {  	[tilespmem:v4+s12+$0x0] =	vst.idx.msk $0xffff, v22  }
0x10b: {  	v4 =	vld [tilespmem:s17+$0xFFFFFD00]  }
0x10c: {  	v5 =	vld [tilespmem:s17+$0xFFFFFD10]  }
0x10d: {  	v6 =	vld [tilespmem:s17+$0xFFFFFD20]  }
0x10e: {  	v7 =	vld [tilespmem:s17+$0xFFFFFD30]  }
0x10f: {  	v8 =	vld [tilespmem:s17+$0xFFFFFD40]  }
0x110: {  	v9 =	vld [tilespmem:s17+$0xFFFFFD50]  }
0x111: {  	v10 =	vld [tilespmem:s17+$0xFFFFFD60]  }
0x112: {  	v11 =	vld [tilespmem:s17+$0xFFFFFD70]  }
0x113: {  	v12 =	vld [tilespmem:s17+$0xFFFFFD80]  }
0x114: {  	v13 =	vld [tilespmem:s17+$0xFFFFFD90]  }
0x115: {  	v16 =	vadd.s32 v31, v61;
	v14 =	vld [tilespmem:s17+$0xFFFFFDA0]  }
0x116: {  	v18 =	vadd.s32 v31, v62;
	v15 =	vld [tilespmem:s17+$0xFFFFFDB0]  }
0x117: {  	v20 =	vadd.s32 v32, v61;
	v17 =	vld [tilespmem:s17+$0xFFFFFDC0]  }
0x118: {  	v22 =	vadd.s32 v32, v62;
	v19 =	vld [tilespmem:s17+$0xFFFFFDD0]  }
0x119: {  	v63 =	vadd.s32 v33, v61;
	v21 =	vld [tilespmem:s17+$0xFFFFFDE0]  }
0x11a: {  	v23 =	vld [tilespmem:s17+$0xFFFFFDF0];
	[tilespmem:v16+s12+$0x0] =	vst.idx.msk $0xffff, v4;
	v4 =	vadd.s32 v33, v62  }
0x11b: {  	[tilespmem:v18+s12+$0x0] =	vst.idx.msk $0xffff, v5;
	v5 =	vadd.s32 v34, v61  }
0x11c: {  	v18 =	vadd.s32 v34, v62;
	[tilespmem:v20+s12+$0x0] =	vst.idx.msk $0xffff, v6  }
0x11d: {  	v20 =	vadd.s32 v35, v61;
	[tilespmem:v22+s12+$0x0] =	vst.idx.msk $0xffff, v7  }
0x11e: {  	v22 =	vadd.s32 v35, v62;
	[tilespmem:v63+s12+$0x0] =	vst.idx.msk $0xffff, v8  }
0x11f: {  	[tilespmem:v4+s12+$0x0] =	vst.idx.msk $0xffff, v9;
	v4 =	vadd.s32 v36, v61  }
0x120: {  	[tilespmem:v5+s12+$0x0] =	vst.idx.msk $0xffff, v10;
	v5 =	vadd.s32 v36, v62  }
0x121: {  	v63 =	vadd.s32 v37, v61;
	[tilespmem:v18+s12+$0x0] =	vst.idx.msk $0xffff, v11  }
0x122: {  	[tilespmem:v20+s12+$0x0] =	vst.idx.msk $0xffff, v12;
	v12 =	vadd.s32 v37, v62  }
0x123: {  	v16 =	vadd.s32 v38, v61;
	[tilespmem:v22+s12+$0x0] =	vst.idx.msk $0xffff, v13  }
0x124: {  	[tilespmem:v4+s12+$0x0] =	vst.idx.msk $0xffff, v14;
	v4 =	vadd.s32 v38, v62  }
0x125: {  	[tilespmem:v5+s12+$0x0] =	vst.idx.msk $0xffff, v15  }
0x126: {  	[tilespmem:v63+s12+$0x0] =	vst.idx.msk $0xffff, v17  }
0x127: {  	[tilespmem:v12+s12+$0x0] =	vst.idx.msk $0xffff, v19  }
0x128: {  	[tilespmem:v16+s12+$0x0] =	vst.idx.msk $0xffff, v21  }
0x129: {  	[tilespmem:v4+s12+$0x0] =	vst.idx.msk $0xffff, v23  }
0x12a: {  	v4 =	vld [tilespmem:s17+$0xFFFFFE00]  }
0x12b: {  	v5 =	vld [tilespmem:s17+$0xFFFFFE10]  }
0x12c: {  	v6 =	vld [tilespmem:s17+$0xFFFFFE20]  }
0x12d: {  	v7 =	vld [tilespmem:s17+$0xFFFFFE30]  }
0x12e: {  	v8 =	vld [tilespmem:s17+$0xFFFFFE40]  }
0x12f: {  	v9 =	vld [tilespmem:s17+$0xFFFFFE50]  }
0x130: {  	v10 =	vld [tilespmem:s17+$0xFFFFFE60]  }
0x131: {  	v11 =	vld [tilespmem:s17+$0xFFFFFE70]  }
0x132: {  	v12 =	vld [tilespmem:s17+$0xFFFFFE80]  }
0x133: {  	v13 =	vld [tilespmem:s17+$0xFFFFFE90]  }
0x134: {  	v16 =	vadd.s32 v39, v61;
	v14 =	vld [tilespmem:s17+$0xFFFFFEA0]  }
0x135: {  	v18 =	vadd.s32 v39, v62;
	v15 =	vld [tilespmem:s17+$0xFFFFFEB0]  }
0x136: {  	v20 =	vadd.s32 v40, v61;
	v17 =	vld [tilespmem:s17+$0xFFFFFEC0]  }
0x137: {  	v22 =	vadd.s32 v40, v62;
	v19 =	vld [tilespmem:s17+$0xFFFFFED0]  }
0x138: {  	v63 =	vadd.s32 v41, v61;
	v21 =	vld [tilespmem:s17+$0xFFFFFEE0]  }
0x139: {  	v23 =	vld [tilespmem:s17+$0xFFFFFEF0];
	[tilespmem:v16+s12+$0x0] =	vst.idx.msk $0xffff, v4;
	v4 =	vadd.s32 v41, v62  }
0x13a: {  	[tilespmem:v18+s12+$0x0] =	vst.idx.msk $0xffff, v5;
	v5 =	vadd.s32 v42, v61  }
0x13b: {  	v18 =	vadd.s32 v42, v62;
	[tilespmem:v20+s12+$0x0] =	vst.idx.msk $0xffff, v6  }
0x13c: {  	v20 =	vadd.s32 v43, v61;
	[tilespmem:v22+s12+$0x0] =	vst.idx.msk $0xffff, v7  }
0x13d: {  	v22 =	vadd.s32 v43, v62;
	[tilespmem:v63+s12+$0x0] =	vst.idx.msk $0xffff, v8  }
0x13e: {  	[tilespmem:v4+s12+$0x0] =	vst.idx.msk $0xffff, v9;
	v4 =	vadd.s32 v44, v61  }
0x13f: {  	[tilespmem:v5+s12+$0x0] =	vst.idx.msk $0xffff, v10;
	v5 =	vadd.s32 v44, v62  }
0x140: {  	v63 =	vadd.s32 v45, v61;
	[tilespmem:v18+s12+$0x0] =	vst.idx.msk $0xffff, v11  }
0x141: {  	[tilespmem:v20+s12+$0x0] =	vst.idx.msk $0xffff, v12;
	v12 =	vadd.s32 v45, v62  }
0x142: {  	v16 =	vadd.s32 v46, v61;
	[tilespmem:v22+s12+$0x0] =	vst.idx.msk $0xffff, v13  }
0x143: {  	[tilespmem:v4+s12+$0x0] =	vst.idx.msk $0xffff, v14;
	v4 =	vadd.s32 v46, v62  }
0x144: {  	[tilespmem:v5+s12+$0x0] =	vst.idx.msk $0xffff, v15  }
0x145: {  	[tilespmem:v63+s12+$0x0] =	vst.idx.msk $0xffff, v17  }
0x146: {  	[tilespmem:v12+s12+$0x0] =	vst.idx.msk $0xffff, v19  }
0x147: {  	[tilespmem:v16+s12+$0x0] =	vst.idx.msk $0xffff, v21  }
0x148: {  	[tilespmem:v4+s12+$0x0] =	vst.idx.msk $0xffff, v23  }
0x149: {  	v4 =	vld [tilespmem:s17+$0xFFFFFF00]  }
0x14a: {  	v5 =	vld [tilespmem:s17+$0xFFFFFF10]  }
0x14b: {  	v6 =	vld [tilespmem:s17+$0xFFFFFF20]  }
0x14c: {  	v7 =	vld [tilespmem:s17+$0xFFFFFF30]  }
0x14d: {  	v8 =	vld [tilespmem:s17+$0xFFFFFF40]  }
0x14e: {  	v9 =	vld [tilespmem:s17+$0xFFFFFF50]  }
0x14f: {  	v10 =	vld [tilespmem:s17+$0xFFFFFF60]  }
0x150: {  	v11 =	vld [tilespmem:s17+$0xFFFFFF70]  }
0x151: {  	v12 =	vld [tilespmem:s17+$0xFFFFFF80]  }
0x152: {  	v13 =	vld [tilespmem:s17+$0xFFFFFF90]  }
0x153: {  	v16 =	vadd.s32 v47, v61;
	v14 =	vld [tilespmem:s17+$0xFFFFFFA0]  }
0x154: {  	v18 =	vadd.s32 v47, v62;
	v15 =	vld [tilespmem:s17+$0xFFFFFFB0]  }
0x155: {  	v20 =	vadd.s32 v48, v61;
	v17 =	vld [tilespmem:s17+$0xFFFFFFC0]  }
0x156: {  	v22 =	vadd.s32 v48, v62;
	v19 =	vld [tilespmem:s17+$0xFFFFFFD0]  }
0x157: {  	v63 =	vadd.s32 v49, v61;
	v21 =	vld [tilespmem:s17+$0xFFFFFFE0]  }
0x158: {  	v23 =	vld [tilespmem:s17+$0xFFFFFFF0];
	[tilespmem:v16+s12+$0x0] =	vst.idx.msk $0xffff, v4;
	v4 =	vadd.s32 v49, v62  }
0x159: {  	[tilespmem:v18+s12+$0x0] =	vst.idx.msk $0xffff, v5;
	v5 =	vadd.s32 v50, v61  }
0x15a: {  	v18 =	vadd.s32 v50, v62;
	[tilespmem:v20+s12+$0x0] =	vst.idx.msk $0xffff, v6  }
0x15b: {  	v20 =	vadd.s32 v51, v61;
	[tilespmem:v22+s12+$0x0] =	vst.idx.msk $0xffff, v7  }
0x15c: {  	v22 =	vadd.s32 v51, v62;
	[tilespmem:v63+s12+$0x0] =	vst.idx.msk $0xffff, v8  }
0x15d: {  	[tilespmem:v4+s12+$0x0] =	vst.idx.msk $0xffff, v9;
	v4 =	vadd.s32 v52, v61  }
0x15e: {  	[tilespmem:v5+s12+$0x0] =	vst.idx.msk $0xffff, v10;
	v5 =	vadd.s32 v52, v62  }
0x15f: {  	v63 =	vadd.s32 v53, v61;
	[tilespmem:v18+s12+$0x0] =	vst.idx.msk $0xffff, v11  }
0x160: {  	[tilespmem:v20+s12+$0x0] =	vst.idx.msk $0xffff, v12;
	v12 =	vadd.s32 v53, v62  }
0x161: {  	v16 =	vadd.s32 v54, v61;
	[tilespmem:v22+s12+$0x0] =	vst.idx.msk $0xffff, v13  }
0x162: {  	[tilespmem:v4+s12+$0x0] =	vst.idx.msk $0xffff, v14;
	v4 =	vadd.s32 v54, v62  }
0x163: {  	[tilespmem:v5+s12+$0x0] =	vst.idx.msk $0xffff, v15  }
0x164: {  	[tilespmem:v63+s12+$0x0] =	vst.idx.msk $0xffff, v17  }
0x165: {  	[tilespmem:v12+s12+$0x0] =	vst.idx.msk $0xffff, v19  }
0x166: {  	[tilespmem:v16+s12+$0x0] =	vst.idx.msk $0xffff, v21  }
0x167: {  	[tilespmem:v4+s12+$0x0] =	vst.idx.msk $0xffff, v23  }
0x168: {  	v4 =	vld [tilespmem:s17+$0x0]  }
0x169: {  	v5 =	vld [tilespmem:s17+$0x10]  }
0x16a: {  	v6 =	vld [tilespmem:s17+$0x20]  }
0x16b: {  	v7 =	vld [tilespmem:s17+$0x30]  }
0x16c: {  	v8 =	vld [tilespmem:s17+$0x40]  }
0x16d: {  	v9 =	vld [tilespmem:s17+$0x50]  }
0x16e: {  	v10 =	vld [tilespmem:s17+$0x60]  }
0x16f: {  	v11 =	vld [tilespmem:s17+$0x70]  }
0x170: {  	v12 =	vld [tilespmem:s17+$0x80]  }
0x171: {  	v13 =	vld [tilespmem:s17+$0x90]  }
0x172: {  	v16 =	vadd.s32 v55, v61;
	v14 =	vld [tilespmem:s17+$0xA0]  }
0x173: {  	v18 =	vadd.s32 v55, v62;
	v15 =	vld [tilespmem:s17+$0xB0]  }
0x174: {  	v20 =	vadd.s32 v56, v61;
	v17 =	vld [tilespmem:s17+$0xC0]  }
0x175: {  	v22 =	vadd.s32 v56, v62;
	v19 =	vld [tilespmem:s17+$0xD0]  }
0x176: {  	v63 =	vadd.s32 v57, v61;
	v21 =	vld [tilespmem:s17+$0xE0]  }
0x177: {  	v23 =	vld [tilespmem:s17+$0xF0];
	[tilespmem:v16+s12+$0x0] =	vst.idx.msk $0xffff, v4;
	v4 =	vadd.s32 v57, v62  }
0x178: {  	[tilespmem:v18+s12+$0x0] =	vst.idx.msk $0xffff, v5;
	v5 =	vadd.s32 v58, v61  }
0x179: {  	v18 =	vadd.s32 v58, v62;
	[tilespmem:v20+s12+$0x0] =	vst.idx.msk $0xffff, v6  }
0x17a: {  	v0 =	vld [tilespmem:$0x1FEC0];
	v20 =	vadd.s32 v59, v61;
	[tilespmem:v22+s12+$0x0] =	vst.idx.msk $0xffff, v7  }
0x17b: {  	[tilespmem:v63+s12+$0x0] =	vst.idx.msk $0xffff, v8  }
0x17c: {  	[tilespmem:v4+s12+$0x0] =	vst.idx.msk $0xffff, v9  }
0x17d: {  	[tilespmem:v5+s12+$0x0] =	vst.idx.msk $0xffff, v10  }
0x17e: {  	v22 =	vadd.s32 v59, v62;
	[tilespmem:v18+s12+$0x0] =	vst.idx.msk $0xffff, v11  }
0x17f: {  	v63 =	vadd.s32 v0, v61;
	[tilespmem:v20+s12+$0x0] =	vst.idx.msk $0xffff, v12;
	v12 =	vadd.s32 v0, v62;
	v0 =	vld [tilespmem:$0x1FED0]  }
0x180: {  	v4 =	vadd.s32 v60, v61  }
0x181: {  	v5 =	vadd.s32 v60, v62;
	_ =	sdelay $0x2  }
0x182: {  	[tilespmem:v22+s12+$0x0] =	vst.idx.msk $0xffff, v13;
	v16 =	vadd.s32 v0, v61  }
0x183: {  	[tilespmem:v4+s12+$0x0] =	vst.idx.msk $0xffff, v14;
	v4 =	vadd.s32 v0, v62;
	v0 =	vld [tilespmem:$0x1FEE0]  }
0x184: {  	[tilespmem:v5+s12+$0x0] =	vst.idx.msk $0xffff, v15  }
0x185: {  	[tilespmem:v63+s12+$0x0] =	vst.idx.msk $0xffff, v17  }
0x186: {  	[tilespmem:v12+s12+$0x0] =	vst.idx.msk $0xffff, v19  }
0x187: {  	[tilespmem:v16+s12+$0x0] =	vst.idx.msk $0xffff, v21  }
0x188: {  	v16 =	vadd.s32 v0, v61;
	v18 =	vadd.s32 v0, v62;
	v0 =	vld [tilespmem:$0x1FEF0];
	[tilespmem:v4+s12+$0x0] =	vst.idx.msk $0xffff, v23  }
0x189: {  	v4 =	vld [tilespmem:s17+$0x100]  }
0x18a: {  	v5 =	vld [tilespmem:s17+$0x110]  }
0x18b: {  	v6 =	vld [tilespmem:s17+$0x120]  }
0x18c: {  	v7 =	vld [tilespmem:s17+$0x130]  }
0x18d: {  	v8 =	vld [tilespmem:s17+$0x140]  }
0x18e: {  	v9 =	vld [tilespmem:s17+$0x150]  }
0x18f: {  	v10 =	vld [tilespmem:s17+$0x160]  }
0x190: {  	v11 =	vld [tilespmem:s17+$0x170]  }
0x191: {  	v12 =	vld [tilespmem:s17+$0x180]  }
0x192: {  	v13 =	vld [tilespmem:s17+$0x190]  }
0x193: {  	v14 =	vld [tilespmem:s17+$0x1A0]  }
0x194: {  	v15 =	vld [tilespmem:s17+$0x1B0]  }
0x195: {  	v20 =	vadd.s32 v0, v61;
	v22 =	vadd.s32 v0, v62;
	v0 =	vld [tilespmem:$0x1FF00]  }
0x196: {  	v17 =	vld [tilespmem:s17+$0x1C0]  }
0x197: {  	v19 =	vld [tilespmem:s17+$0x1D0]  }
0x198: {  	v21 =	vld [tilespmem:s17+$0x1E0]  }
0x199: {  	v23 =	vld [tilespmem:s17+$0x1F0]  }
0x19a: {  	[tilespmem:v16+s12+$0x0] =	vst.idx.msk $0xffff, v4;
	v63 =	vadd.s32 v0, v61;
	v4 =	vadd.s32 v0, v62;
	v0 =	vld [tilespmem:$0x1FF10];
	_ =	sdelay $0x4  }
0x19b: {  	[tilespmem:v18+s12+$0x0] =	vst.idx.msk $0xffff, v5;
	v5 =	vadd.s32 v0, v61;
	v18 =	vadd.s32 v0, v62;
	v0 =	vld [tilespmem:$0x1FF20];
	_ =	sdelay $0x3  }
0x19c: {  	[tilespmem:v20+s12+$0x0] =	vst.idx.msk $0xffff, v6  }
0x19d: {  	[tilespmem:v22+s12+$0x0] =	vst.idx.msk $0xffff, v7;
	v20 =	vadd.s32 v0, v61;
	v22 =	vadd.s32 v0, v62;
	v0 =	vld [tilespmem:$0x1FF30];
	_ =	sdelay $0x2  }
0x19e: {  	[tilespmem:v63+s12+$0x0] =	vst.idx.msk $0xffff, v8  }
0x19f: {  	[tilespmem:v4+s12+$0x0] =	vst.idx.msk $0xffff, v9  }
0x1a0: {  	[tilespmem:v5+s12+$0x0] =	vst.idx.msk $0xffff, v10;
	v4 =	vadd.s32 v0, v61;
	v5 =	vadd.s32 v0, v62;
	v0 =	vld [tilespmem:$0x1FF40];
	_ =	sdelay $0x4  }
0x1a1: {  	v63 =	vadd.s32 v0, v61;
	v16 =	vadd.s32 v0, v62;
	v0 =	vld [tilespmem:$0x1FF50];
	_ =	sdelay $0x2  }
0x1a2: {  	[tilespmem:v18+s12+$0x0] =	vst.idx.msk $0xffff, v11  }
0x1a3: {  	[tilespmem:v20+s12+$0x0] =	vst.idx.msk $0xffff, v12  }
0x1a4: {  	[tilespmem:v22+s12+$0x0] =	vst.idx.msk $0xffff, v13;
	v18 =	vadd.s32 v0, v61  }
0x1a5: {  	[tilespmem:v4+s12+$0x0] =	vst.idx.msk $0xffff, v14;
	v4 =	vadd.s32 v0, v62;
	v0 =	vld [tilespmem:$0x1FF60]  }
0x1a6: {  	[tilespmem:v5+s12+$0x0] =	vst.idx.msk $0xffff, v15  }
0x1a7: {  	[tilespmem:v63+s12+$0x0] =	vst.idx.msk $0xffff, v17  }
0x1a8: {  	[tilespmem:v16+s12+$0x0] =	vst.idx.msk $0xffff, v19  }
0x1a9: {  	[tilespmem:v18+s12+$0x0] =	vst.idx.msk $0xffff, v21  }
0x1aa: {  	v16 =	vadd.s32 v0, v61;
	v18 =	vadd.s32 v0, v62;
	v0 =	vld [tilespmem:$0x1FF70];
	[tilespmem:v4+s12+$0x0] =	vst.idx.msk $0xffff, v23  }
0x1ab: {  	v4 =	vld [tilespmem:s17+$0x200]  }
0x1ac: {  	v5 =	vld [tilespmem:s17+$0x210]  }
0x1ad: {  	v6 =	vld [tilespmem:s17+$0x220]  }
0x1ae: {  	v7 =	vld [tilespmem:s17+$0x230]  }
0x1af: {  	v8 =	vld [tilespmem:s17+$0x240]  }
0x1b0: {  	v9 =	vld [tilespmem:s17+$0x250]  }
0x1b1: {  	v10 =	vld [tilespmem:s17+$0x260]  }
0x1b2: {  	v11 =	vld [tilespmem:s17+$0x270]  }
0x1b3: {  	v12 =	vld [tilespmem:s17+$0x280]  }
0x1b4: {  	v13 =	vld [tilespmem:s17+$0x290]  }
0x1b5: {  	v14 =	vld [tilespmem:s17+$0x2A0]  }
0x1b6: {  	v15 =	vld [tilespmem:s17+$0x2B0]  }
0x1b7: {  	v20 =	vadd.s32 v0, v61;
	v22 =	vadd.s32 v0, v62;
	v0 =	vld [tilespmem:$0x1FF80]  }
0x1b8: {  	v17 =	vld [tilespmem:s17+$0x2C0]  }
0x1b9: {  	v19 =	vld [tilespmem:s17+$0x2D0]  }
0x1ba: {  	v21 =	vld [tilespmem:s17+$0x2E0]  }
0x1bb: {  	v23 =	vld [tilespmem:s17+$0x2F0]  }
0x1bc: {  	[tilespmem:v16+s12+$0x0] =	vst.idx.msk $0xffff, v4;
	v63 =	vadd.s32 v0, v61;
	v4 =	vadd.s32 v0, v62;
	v0 =	vld [tilespmem:$0x1FF90];
	_ =	sdelay $0x3  }
0x1bd: {  	[tilespmem:v18+s12+$0x0] =	vst.idx.msk $0xffff, v5  }
0x1be: {  	[tilespmem:v20+s12+$0x0] =	vst.idx.msk $0xffff, v6;
	v5 =	vadd.s32 v0, v61;
	v20 =	vadd.s32 v0, v62;
	v0 =	vld [tilespmem:$0x1FFA0];
	_ =	sdelay $0x4  }
0x1bf: {  	[tilespmem:v22+s12+$0x0] =	vst.idx.msk $0xffff, v7;
	v22 =	vadd.s32 v0, v61;
	v16 =	vadd.s32 v0, v62;
	v0 =	vld [tilespmem:$0x1FFB0];
	_ =	sdelay $0x2  }
0x1c0: {  	[tilespmem:v63+s12+$0x0] =	vst.idx.msk $0xffff, v8  }
0x1c1: {  	[tilespmem:v4+s12+$0x0] =	vst.idx.msk $0xffff, v9  }
0x1c2: {  	[tilespmem:v5+s12+$0x0] =	vst.idx.msk $0xffff, v10;
	v4 =	vadd.s32 v0, v61;
	v5 =	vadd.s32 v0, v62;
	v0 =	vld [tilespmem:$0x1FFC0];
	_ =	sdelay $0x4  }
0x1c3: {  	[tilespmem:v20+s12+$0x0] =	vst.idx.msk $0xffff, v11;
	v18 =	vadd.s32 v0, v61;
	v20 =	vadd.s32 v0, v62;
	v0 =	vld [tilespmem:$0x1FFD0];
	_ =	sdelay $0x3  }
0x1c4: {  	[tilespmem:v22+s12+$0x0] =	vst.idx.msk $0xffff, v12  }
0x1c5: {  	[tilespmem:v16+s12+$0x0] =	vst.idx.msk $0xffff, v13;
	v22 =	vadd.s32 v0, v61  }
0x1c6: {  	[tilespmem:v4+s12+$0x0] =	vst.idx.msk $0xffff, v14;
	v4 =	vadd.s32 v0, v62;
	v0 =	vld [tilespmem:$0x1FFE0]  }
0x1c7: {  	[tilespmem:v5+s12+$0x0] =	vst.idx.msk $0xffff, v15  }
0x1c8: {  	[tilespmem:v18+s12+$0x0] =	vst.idx.msk $0xffff, v17  }
0x1c9: {  	[tilespmem:v20+s12+$0x0] =	vst.idx.msk $0xffff, v19  }
0x1ca: {  	[tilespmem:v22+s12+$0x0] =	vst.idx.msk $0xffff, v21  }
0x1cb: {  	v16 =	vadd.s32 v0, v61;
	v18 =	vadd.s32 v0, v62;
	v0 =	vld [tilespmem:$0x1FFF0];
	[tilespmem:v4+s12+$0x0] =	vst.idx.msk $0xffff, v23  }
0x1cc: {  	v4 =	vld [tilespmem:s17+$0x300]  }
0x1cd: {  	v5 =	vld [tilespmem:s17+$0x310]  }
0x1ce: {  	v6 =	vld [tilespmem:s17+$0x320]  }
0x1cf: {  	v7 =	vld [tilespmem:s17+$0x330]  }
0x1d0: {  	v8 =	vld [tilespmem:s17+$0x340]  }
0x1d1: {  	v9 =	vld [tilespmem:s17+$0x350]  }
0x1d2: {  	v10 =	vld [tilespmem:s17+$0x360]  }
0x1d3: {  	v23 =	vadd.s32 $0x3A, v25;
	v11 =	vld [tilespmem:s17+$0x370];
	v20 =	vadd.s32 v0, v61;
	v22 =	vadd.s32 v0, v62;
	v0 =	vmovc v60;
	v60 =	vmovc v59  }
0x1d4: {  	v12 =	vld [tilespmem:s17+$0x380];
	v59 =	vmovc v58;
	v58 =	vmovc v57;
	v57 =	vmov v56;
	v56 =	vmov v55;
	v55 =	vmov v54  }
0x1d5: {  	v13 =	vld [tilespmem:s17+$0x390];
	v54 =	vmovc v53;
	v53 =	vmovc v52;
	v52 =	vmov v51;
	v51 =	vmov v50;
	v50 =	vmov v49  }
0x1d6: {  	v14 =	vld [tilespmem:s17+$0x3A0];
	v49 =	vmovc v48;
	v48 =	vmovc v47;
	v47 =	vmov v46;
	v46 =	vmov v45;
	v45 =	vmov v44  }
0x1d7: {  	v15 =	vld [tilespmem:s17+$0x3B0];
	v44 =	vmovc v43;
	v43 =	vmovc v42;
	v42 =	vmov v41;
	v41 =	vmov v40;
	v40 =	vmov v39  }
0x1d8: {  	v17 =	vld [tilespmem:s17+$0x3C0];
	v39 =	vmovc v38;
	v38 =	vmovc v37;
	v37 =	vmov v36;
	v36 =	vmov v35;
	v35 =	vmov v34  }
0x1d9: {  	v19 =	vld [tilespmem:s17+$0x3D0];
	v34 =	vmovc v33;
	v33 =	vmovc v32;
	v32 =	vmov v31;
	v31 =	vmov v30;
	v30 =	vmov v29  }
0x1da: {  	v21 =	vld [tilespmem:s17+$0x3E0];
	v29 =	vmovc v28;
	v28 =	vmovc v27;
	v27 =	vmov v26;
	v26 =	vmov v24;
	v24 =	vadd.s32 v23, v61  }
0x1db: {  	v63 =	vld [tilespmem:s17+$0x3F0];
	[tilespmem:v16+s12+$0x0] =	vst.idx.msk $0xffff, v4;
	v4 =	vadd.s32 v23, v62;
	v23 =	vadd.s32 $0x3B, v25  }
0x1dc: {  	[tilespmem:v18+s12+$0x0] =	vst.idx.msk $0xffff, v5;
	v5 =	vadd.s32 v23, v61  }
0x1dd: {  	[tilespmem:v20+s12+$0x0] =	vst.idx.msk $0xffff, v6;
	v6 =	vadd.s32 v23, v62;
	v20 =	vadd.s32 $0x3C, v25  }
0x1de: {  	[tilespmem:v22+s12+$0x0] =	vst.idx.msk $0xffff, v7;
	v22 =	vadd.s32 v20, v61  }
0x1df: {  	v23 =	vadd.s32 $0x3D, v25;
	[tilespmem:v24+s12+$0x0] =	vst.idx.msk $0xffff, v8;
	v8 =	vadd.s32 v20, v62  }
0x1e0: {  	[tilespmem:v4+s12+$0x0] =	vst.idx.msk $0xffff, v9;
	v4 =	vadd.s32 v23, v61  }
0x1e1: {  	v18 =	vadd.s32 $0x3E, v25;
	[tilespmem:v5+s12+$0x0] =	vst.idx.msk $0xffff, v10;
	v5 =	vadd.s32 v23, v62  }
0x1e2: {  	v24 =	vmovc v26;
	v26 =	vmov v27;
	v27 =	vmov v28;
	v20 =	vadd.s32 v18, v61;
	[tilespmem:v6+s12+$0x0] =	vst.idx.msk $0xffff, v11  }
0x1e3: {  	v28 =	vmovc v29;
	v29 =	vmov v30;
	v23 =	vadd.s32 $0x3F, v25;
	[tilespmem:v22+s12+$0x0] =	vst.idx.msk $0xffff, v12;
	v22 =	vadd.s32 v18, v62  }
0x1e4: {  	v30 =	vmovc v31;
	v31 =	vmov v32;
	v32 =	vmov v33;
	v61 =	vadd.s32 v23, v61;
	[tilespmem:v8+s12+$0x0] =	vst.idx.msk $0xffff, v13  }
0x1e5: {  	p0 =	sne.s32 s16, $0x330;
	v33 =	vmovc v34;
	v34 =	vmov v35;
	v35 =	vmov v36;
	[tilespmem:v4+s12+$0x0] =	vst.idx.msk $0xffff, v14;
	v4 =	vadd.s32 v23, v62  }
.Ltmp3:
0x1e6: {  	v36 =	vmovc v37;
	v37 =	vmovc v38;
	v38 =	vmov v39;
	v39 =	vmov v40;
	v40 =	vmov v41;
	[tilespmem:v5+s12+$0x0] =	vst.idx.msk $0xffff, v15;
	(pc) =	sbr.rel @p0 .LBB2_9-.Ltmp3, $4  }
0x1e7: {  	v41 =	vmovc v42;
	v42 =	vmovc v43;
	v43 =	vmov v44;
	v44 =	vmov v45;
	v45 =	vmov v46;
	[tilespmem:v20+s12+$0x0] =	vst.idx.msk $0xffff, v17  }
0x1e8: {  	v46 =	vmovc v47;
	v47 =	vmovc v48;
	v48 =	vmov v49;
	v49 =	vmov v50;
	v50 =	vmov v51;
	[tilespmem:v22+s12+$0x0] =	vst.idx.msk $0xffff, v19  }
0x1e9: {  	v51 =	vmovc v52;
	v52 =	vmovc v53;
	v53 =	vmov v54;
	v54 =	vmov v55;
	v55 =	vmov v56;
	[tilespmem:v61+s12+$0x0] =	vst.idx.msk $0xffff, v21  }
0x1ea: {  	s16 =	sadd.s32 $0x20, s16;
	s17 =	sadd.s32 $0x800, s17;
	v56 =	vmovc v57;
	v57 =	vmovc v58;
	v58 =	vmov v59;
	v59 =	vmov v60;
	v60 =	vmov v0;
	v0 =	vld [tilespmem:$0x1FEB0];
	[tilespmem:v4+s12+$0x0] =	vst.idx.msk $0xffff, v63  }
0x1eb: {  	s15 =	sshrl.u32 s15, $0x3  }
0x1ec: {  	s16 =	simm.s32 $0xDD00;
	s15 =	sadd.s32 s5, s15  }
0x1ed: {  	[hbm4b:s15+s2] =	stream.linear.scatter [tilespmem:s16], [sflag:$0x2], $0x40, $0x38;
	[tilespmem:$0x1C700] =	vst v63  }
0x1ee: {  	s16 =	simm.s32 $0x120  }
.LBB2_11:
0x1ef: {  	p0 =	sne.s32 s16, $0x3A6E0  }
.Ltmp4:
0x1f0: {  	_ = 	snop;
	(pc) =	sbr.rel @p0 .LBB2_11-.Ltmp4, $4  }
0x1f1: {  	_ = 	snop  }
0x1f2: {  	s17 =	sshra.s32 s16, $0x2;
	s16 =	sadd.s32 $0x120, s16  }
0x1f3: {  	s15 =	sadd.s32 $0x800, s15;
	s17 =	sadd.s32 $0xDD00, s17  }
0x1f4: {  	[hbm4b:s15+s2] =	stream.linear.scatter [tilespmem:s17], [sflag:$0x2], $0x40, $0x38;
	[tilespmem:$0x1C700] =	vst v63  }
0x1f5: {  	s14 =	sadd.s32 $0x1, s14  }
0x1f6: {  	p0 =	sne.s32 s14, $0x8  }
.Ltmp5:
0x1f7: {  	_ = 	snop;
	(pc) =	sbr.rel @p0 .LBB2_2-.Ltmp5, $4  }
0x1f8: {  	_ = 	snop  }
0x1f9: {  	_ =	swait.ge [sflag:s8], $0xD000  }
0x1fa: {  	[sflag:s8] =	ssyncset.done $0x0  }
0x1fb: {  	[sflag:s8] =	ssyncadd.s32 $0xFFFF3000  }
0x1fc: {  	s13 =	sadd.s32 $0x1, s13  }
0x1fd: {  	p0 =	sne.s32 s13, s7  }
.Ltmp6:
0x1fe: {  	_ = 	snop;
	(pc) =	sbr.rel @p0 .LBB2_1-.Ltmp6, $1  }
0x1ff: {  	_ =	sdelay $0x3  }
0x200: {  	_ =	sfence.sel $0x180000  }
0x201: {  	[bflag:$0x0] =	sbarrier.arrive $0xFFFF  }
0x202: {  	p0 =	sne.s32 s3, $0x0;
	_ =	strace $0x90000047  }
0x203: {  	s0 =	sadd.s32 @!p0 $0x100000, s0;
	[bflag:$0x2] =	sbarrier.arrive $0xFFFF  }
0x204: {  	[sflag:s0] =	ssyncadd.tile.s32 @!p0 $0x1;
	_ =	shalt  }
.Lfunc_end2:
_tile_overlayer_lowered:
.L_overlay_start_2:
0x205: {  	(tag) =	ssettag $0x2  }
0x206: {  	s0 =	rddreg [dreg:$0x0];
	s2 =	stileid.u32  }
0x207: {  	s1 =	rddreg [dreg:$0x1];
	p0 =	sne.s32 s2, $0x0  }
0x208: {  	s3 =	rddreg [dreg:$0x2];
	[bflag:$0x3] =	sbarrier.arrive $0xFFFF;
	s2 =	simm.s32 @!p0 $0x1C02  }
0x209: {  	[timem:s3], [sflag:s2] =	dma.local @!p0 [hbm:s0], s1  }
0x20a: {  	s0 =	simm.s32 @!p0 $0x2  }
0x20b: {  	_ =	swait.ge @!p0 [sflag:s0], s1  }
0x20c: {  	s1 =	ssub.s32 @!p0 $0x0, s1;
	[sflag:s0] =	ssyncset.done @!p0 $0x0  }
0x20d: {  	[sflag:s0] =	ssyncadd.s32 @!p0 s1  }
0x20e: {  	[bflag:$0x3] =	sbarrier.arrive $0xFFFF  }
0x20f: {  	_ =	shalt  }

</sc_bundles>
